<compile_context>
chip_gen: v7x
topology: tpu7x:2x2x1
jax: 0.10.2.dev20260603
libtpu: 0.0.44.dev20260713+nightly
codegen_flags: <defaults>
</compile_context>

<pallas_src>
import functools

import jax
import jax.numpy as jnp
from jax import lax
from jax.experimental import pallas as pl
from jax.experimental.pallas import tpu as pltpu
from jax.experimental.pallas import tpu_sc as plsc

SCALE = 0.5
CHUNK = 64
NBUF = 10


def _fuse_table(table, At3, Bm):
    V, H = table.shape
    R, n_maj, n_min = At3.shape
    blk = 10000
    assert V % blk == 0 and blk % n_min == 0
    sub = blk // n_min
    assert sub % 8 == 0

    def body(t_ref, at_ref, b_ref, o_ref):
        at = at_ref[...].reshape(R, blk)
        delta = jax.lax.dot_general(
            at, b_ref[...], (((0,), (0,)), ((), ())),
            preferred_element_type=jnp.float32)
        o_ref[...] = t_ref[...] + delta * SCALE

    return pl.pallas_call(
        body,
        grid=(V // blk,),
        in_specs=[
            pl.BlockSpec((blk, H), lambda i: (i, 0)),
            pl.BlockSpec((R, sub, n_min), lambda i: (0, i, 0)),
            pl.BlockSpec((R, H), lambda i: (0, 0)),
        ],
        out_specs=pl.BlockSpec((blk, H), lambda i: (i, 0)),
        out_shape=jax.ShapeDtypeStruct((V, H), jnp.float32),
    )(table, At3, Bm)


@functools.lru_cache(maxsize=None)
def _make_gather(V, H, BT):
    info = plsc.get_sparse_core_info()
    NC, NS = info.num_cores, info.num_subcores
    NW = NC * NS
    assert BT % (NW * CHUNK) == 0
    per_tile = BT // NW
    n_chunks = per_tile // CHUNK
    assert n_chunks % NBUF == 0
    mesh = plsc.VectorSubcoreMesh(core_axis_name="c", subcore_axis_name="s")

    @functools.partial(
        pl.kernel,
        mesh=mesh,
        out_type=jax.ShapeDtypeStruct((BT, H), jnp.float32),
        scratch_types=[
            pltpu.VMEM((per_tile,), jnp.int32),
            pltpu.VMEM((NBUF, CHUNK, H), jnp.float32),
        ]
        + [pltpu.SemaphoreType.DMA] * (2 * NBUF),
    )
    def gather_k(fused_hbm, ids_hbm, out_hbm, idx_v, rows_v, *sems):
        gsem = sems[:NBUF]
        ssem = sems[NBUF:]
        c = lax.axis_index("c")
        s = lax.axis_index("s")
        wid = s * NC + c
        base = wid * per_tile
        pltpu.sync_copy(ids_hbm.at[pl.ds(base, per_tile)], idx_v)

        def gather_copy(j, b):
            return pltpu.make_async_copy(
                fused_hbm.at[idx_v.at[pl.ds(j * CHUNK, CHUNK)]],
                rows_v.at[b], gsem[b])

        def store_copy(j, b):
            return pltpu.make_async_copy(
                rows_v.at[b],
                out_hbm.at[pl.ds(base + j * CHUNK, CHUNK)], ssem[b])

        for b in range(NBUF):
            gather_copy(b, b).start()

        def outer(j0, carry):
            for b in range(NBUF):
                j = j0 + b
                gather_copy(j, b).wait()
                store_copy(j, b).start()

                @pl.when(j + NBUF < n_chunks)
                def _():
                    store_copy(j, b).wait()
                    gather_copy(j + NBUF, b).start()

            return carry

        lax.fori_loop(0, n_chunks // NBUF, lambda i, c: outer(i * NBUF, c), 0)

        for b in range(NBUF):
            store_copy(n_chunks - NBUF + b, b).wait()

    return gather_k


def kernel(ids, table, A, Bm):
    V, H = table.shape
    B, S = ids.shape
    n_maj, n_min = 80, V // 80
    fused = _fuse_table(
        table, A.T.reshape(A.shape[1], n_maj, n_min), Bm)
    gather = _make_gather(V, H, B * S)
    out_t = gather(fused, ids.T.reshape(-1))
    return out_t.reshape(S, B, H).transpose(1, 0, 2)

# --- scband reference (transcript-rebuilt; emitter-appended) ---
"""Pipeline reference for scband-gpu-cpu-embedding-48258252538028 (READ-ONLY COPY).

The authoritative reference and input builder live on the scoring server;
editing this copy changes nothing except your own understanding.
"""

import jax, jax.numpy as jnp
import numpy as np

VOCAB = 100000
H = 128
R = 16
B_SZ = 4096
S = 50
SCALE = 0.5

def setup_inputs(seed: int = 0) -> dict:
    key = jax.random.key(seed)
    k1, k2, k3, k4 = jax.random.split(key, 4)
    ids = jax.random.randint(k1, (B_SZ, S), 0, VOCAB, dtype=jnp.int64 if jax.config.jax_enable_x64 else jnp.int32).astype(jnp.int32)
    table = jax.random.normal(k2, (VOCAB, H), dtype=jnp.float32) * 0.02
    A = jax.random.normal(k3, (VOCAB, R), dtype=jnp.float32) * 0.02
    Bm = jax.random.normal(k4, (R, H), dtype=jnp.float32) * 0.02
    return {"ids": ids, "table": table, "A": A, "Bm": Bm}

def reference(ids, table, A, Bm):
    # base embedding lookup (gather)
    base_out = jnp.take(table, ids, axis=0)            # [B, S, H]
    # LoRA delta: gather low-rank rows then project
    flat_ids = ids.reshape(-1)                          # [B*S]
    rows = jnp.take(A, flat_ids, axis=0)                # [B*S, R]
    delta = (rows @ Bm) * SCALE                         # [B*S, H]
    delta = delta.reshape(base_out.shape)               # [B, S, H]
    return base_out + delta

if __name__ == "__main__":
    import jax
    _d = setup_inputs()
    print(jax.jit(kernel)(*tuple(_d.values())))

</pallas_src>

<mosaic_0001>
#map = affine_map<(d0, d1) -> (0, 0)>
#map1 = affine_map<(d0, d1) -> (0)>
module attributes {stable_mosaic.version = 14 : i64} {
  func.func @gather_k(%arg0: i32, %arg1: i32, %arg2: memref<100000x128xf32, #tpu.memory_space<hbm>>, %arg3: memref<204800xi32, #tpu.memory_space<hbm>>, %arg4: memref<204800x128xf32, #tpu.memory_space<hbm>>, %arg5: memref<6400xi32, #tpu.memory_space<vmem>>, %arg6: memref<10x64x128xf32, #tpu.memory_space<vmem>>, %arg7: memref<!tpu.dma_semaphore, #tpu.memory_space<semaphore_mem>>, %arg8: memref<!tpu.dma_semaphore, #tpu.memory_space<semaphore_mem>>, %arg9: memref<!tpu.dma_semaphore, #tpu.memory_space<semaphore_mem>>, %arg10: memref<!tpu.dma_semaphore, #tpu.memory_space<semaphore_mem>>, %arg11: memref<!tpu.dma_semaphore, #tpu.memory_space<semaphore_mem>>, %arg12: memref<!tpu.dma_semaphore, #tpu.memory_space<semaphore_mem>>, %arg13: memref<!tpu.dma_semaphore, #tpu.memory_space<semaphore_mem>>, %arg14: memref<!tpu.dma_semaphore, #tpu.memory_space<semaphore_mem>>, %arg15: memref<!tpu.dma_semaphore, #tpu.memory_space<semaphore_mem>>, %arg16: memref<!tpu.dma_semaphore, #tpu.memory_space<semaphore_mem>>, %arg17: memref<!tpu.dma_semaphore, #tpu.memory_space<semaphore_mem>>, %arg18: memref<!tpu.dma_semaphore, #tpu.memory_space<semaphore_mem>>, %arg19: memref<!tpu.dma_semaphore, #tpu.memory_space<semaphore_mem>>, %arg20: memref<!tpu.dma_semaphore, #tpu.memory_space<semaphore_mem>>, %arg21: memref<!tpu.dma_semaphore, #tpu.memory_space<semaphore_mem>>, %arg22: memref<!tpu.dma_semaphore, #tpu.memory_space<semaphore_mem>>, %arg23: memref<!tpu.dma_semaphore, #tpu.memory_space<semaphore_mem>>, %arg24: memref<!tpu.dma_semaphore, #tpu.memory_space<semaphore_mem>>, %arg25: memref<!tpu.dma_semaphore, #tpu.memory_space<semaphore_mem>>, %arg26: memref<!tpu.dma_semaphore, #tpu.memory_space<semaphore_mem>>) attributes {dimension_semantics = [#tpu.dimension_semantics<core_parallel>, #tpu.dimension_semantics<subcore_parallel>], iteration_bounds = array<i64: 2, 16>, scalar_prefetch = 0 : i64, scratch_operands = 22 : i64, tpu.core_type = #tpu.core_type<sc_vector_subcore>, window_params = [{transform_indices = #map}, {transform_indices = #map1}, {transform_indices = #map}]} {
    %mul3A = arith.constant 2 : i32
    %mul3A_0 = arith.muli %arg1, %mul3A : i32
    %add3A = arith.addi %mul3A_0, %arg0 : i32
    %mul3A_1 = arith.constant 6400 : i32
    %mul3A_2 = arith.muli %add3A, %mul3A_1 : i32
    "tpu.region"() ({
      %run_scoped3A = tpu.sem_alloc : memref<!tpu.dma_semaphore, #tpu.memory_space<semaphore_mem>>
      %dma_start3A_256 = tpu.memref_slice %arg3[%mul3A_2] : memref<204800xi32, #tpu.memory_space<hbm>> -> memref<6400xi32, #tpu.memory_space<hbm>>
      %dma_start3A_257 = tpu.memref_slice %arg3[%mul3A_2] : memref<204800xi32, #tpu.memory_space<hbm>> -> memref<6400xi32, #tpu.memory_space<hbm>>
      tpu.enqueue_dma source(%dma_start3A_257 : memref<6400xi32, #tpu.memory_space<hbm>>) target(%arg5 : memref<6400xi32, #tpu.memory_space<vmem>>) target_semaphore(%run_scoped3A : memref<!tpu.dma_semaphore, #tpu.memory_space<semaphore_mem>>)
      %dma_wait3A_258 = tpu.memref_slice %arg3[%mul3A_2] : memref<204800xi32, #tpu.memory_space<hbm>> -> memref<6400xi32, #tpu.memory_space<hbm>>
      %dma_wait3A_259 = tpu.memref_slice %arg3[%mul3A_2] : memref<204800xi32, #tpu.memory_space<hbm>> -> memref<6400xi32, #tpu.memory_space<hbm>>
      tpu.wait_dma2 semaphore(%run_scoped3A : memref<!tpu.dma_semaphore, #tpu.memory_space<semaphore_mem>>) src(%dma_wait3A_259 : memref<6400xi32, #tpu.memory_space<hbm>>) dst(%arg5 : memref<6400xi32, #tpu.memory_space<vmem>>)
      tpu.yield
    }) : () -> ()
    %dma_start3A = arith.constant 0 : i32
    %dma_start3A_3 = arith.constant 0 : i32
    %dma_start3A_4 = arith.constant 0 : i32
    %dma_start3A_5 = tpu.memref_slice %arg6[%dma_start3A, %dma_start3A_3, %dma_start3A_4] : memref<10x64x128xf32, #tpu.memory_space<vmem>> -> memref<1x64x128xf32, #tpu.memory_space<vmem>>
    %dma_start3A_6 = tpu.memref_squeeze %dma_start3A_5 : memref<1x64x128xf32, #tpu.memory_space<vmem>> -> memref<64x128xf32, #tpu.memory_space<vmem>>
    %dma_start3A_7 = arith.constant 0 : i32
    %dma_start3A_8 = tpu.memref_slice %arg5[%dma_start3A_7] : memref<6400xi32, #tpu.memory_space<vmem>> -> memref<64xi32, #tpu.memory_space<vmem>>
    %dma_start3A_9 = arith.constant 0 : i32
    %dma_start3A_10 = arith.constant 0 : i32
    %dma_start3A_11 = tpu.memref_slice %arg2[%dma_start3A_9, %dma_start3A_10] : memref<100000x128xf32, #tpu.memory_space<hbm>> -> memref<100000x128xf32, #tpu.memory_space<hbm>>
    tpu.enqueue_indirect_dma source(%dma_start3A_11 : memref<100000x128xf32, #tpu.memory_space<hbm>>) target(%dma_start3A_6 : memref<64x128xf32, #tpu.memory_space<vmem>>) offsets(%dma_start3A_8 : memref<64xi32, #tpu.memory_space<vmem>>) semaphore(%arg7 : memref<!tpu.dma_semaphore, #tpu.memory_space<semaphore_mem>>)
    %dma_start3A_12 = arith.constant 1 : i32
    %dma_start3A_13 = arith.constant 0 : i32
    %dma_start3A_14 = arith.constant 0 : i32
    %dma_start3A_15 = tpu.memref_slice %arg6[%dma_start3A_12, %dma_start3A_13, %dma_start3A_14] : memref<10x64x128xf32, #tpu.memory_space<vmem>> -> memref<1x64x128xf32, #tpu.memory_space<vmem>>
    %dma_start3A_16 = tpu.memref_squeeze %dma_start3A_15 : memref<1x64x128xf32, #tpu.memory_space<vmem>> -> memref<64x128xf32, #tpu.memory_space<vmem>>
    %dma_start3A_17 = arith.constant 64 : i32
    %dma_start3A_18 = tpu.memref_slice %arg5[%dma_start3A_17] : memref<6400xi32, #tpu.memory_space<vmem>> -> memref<64xi32, #tpu.memory_space<vmem>>
    %dma_start3A_19 = arith.constant 0 : i32
    %dma_start3A_20 = arith.constant 0 : i32
    %dma_start3A_21 = tpu.memref_slice %arg2[%dma_start3A_19, %dma_start3A_20] : memref<100000x128xf32, #tpu.memory_space<hbm>> -> memref<100000x128xf32, #tpu.memory_space<hbm>>
    tpu.enqueue_indirect_dma source(%dma_start3A_21 : memref<100000x128xf32, #tpu.memory_space<hbm>>) target(%dma_start3A_16 : memref<64x128xf32, #tpu.memory_space<vmem>>) offsets(%dma_start3A_18 : memref<64xi32, #tpu.memory_space<vmem>>) semaphore(%arg8 : memref<!tpu.dma_semaphore, #tpu.memory_space<semaphore_mem>>)
    %dma_start3A_22 = arith.constant 2 : i32
    %dma_start3A_23 = arith.constant 0 : i32
    %dma_start3A_24 = arith.constant 0 : i32
    %dma_start3A_25 = tpu.memref_slice %arg6[%dma_start3A_22, %dma_start3A_23, %dma_start3A_24] : memref<10x64x128xf32, #tpu.memory_space<vmem>> -> memref<1x64x128xf32, #tpu.memory_space<vmem>>
    %dma_start3A_26 = tpu.memref_squeeze %dma_start3A_25 : memref<1x64x128xf32, #tpu.memory_space<vmem>> -> memref<64x128xf32, #tpu.memory_space<vmem>>
    %dma_start3A_27 = arith.constant 128 : i32
    %dma_start3A_28 = tpu.memref_slice %arg5[%dma_start3A_27] : memref<6400xi32, #tpu.memory_space<vmem>> -> memref<64xi32, #tpu.memory_space<vmem>>
    %dma_start3A_29 = arith.constant 0 : i32
    %dma_start3A_30 = arith.constant 0 : i32
    %dma_start3A_31 = tpu.memref_slice %arg2[%dma_start3A_29, %dma_start3A_30] : memref<100000x128xf32, #tpu.memory_space<hbm>> -> memref<100000x128xf32, #tpu.memory_space<hbm>>
    tpu.enqueue_indirect_dma source(%dma_start3A_31 : memref<100000x128xf32, #tpu.memory_space<hbm>>) target(%dma_start3A_26 : memref<64x128xf32, #tpu.memory_space<vmem>>) offsets(%dma_start3A_28 : memref<64xi32, #tpu.memory_space<vmem>>) semaphore(%arg9 : memref<!tpu.dma_semaphore, #tpu.memory_space<semaphore_mem>>)
    %dma_start3A_32 = arith.constant 3 : i32
    %dma_start3A_33 = arith.constant 0 : i32
    %dma_start3A_34 = arith.constant 0 : i32
    %dma_start3A_35 = tpu.memref_slice %arg6[%dma_start3A_32, %dma_start3A_33, %dma_start3A_34] : memref<10x64x128xf32, #tpu.memory_space<vmem>> -> memref<1x64x128xf32, #tpu.memory_space<vmem>>
    %dma_start3A_36 = tpu.memref_squeeze %dma_start3A_35 : memref<1x64x128xf32, #tpu.memory_space<vmem>> -> memref<64x128xf32, #tpu.memory_space<vmem>>
    %dma_start3A_37 = arith.constant 192 : i32
    %dma_start3A_38 = tpu.memref_slice %arg5[%dma_start3A_37] : memref<6400xi32, #tpu.memory_space<vmem>> -> memref<64xi32, #tpu.memory_space<vmem>>
    %dma_start3A_39 = arith.constant 0 : i32
    %dma_start3A_40 = arith.constant 0 : i32
    %dma_start3A_41 = tpu.memref_slice %arg2[%dma_start3A_39, %dma_start3A_40] : memref<100000x128xf32, #tpu.memory_space<hbm>> -> memref<100000x128xf32, #tpu.memory_space<hbm>>
    tpu.enqueue_indirect_dma source(%dma_start3A_41 : memref<100000x128xf32, #tpu.memory_space<hbm>>) target(%dma_start3A_36 : memref<64x128xf32, #tpu.memory_space<vmem>>) offsets(%dma_start3A_38 : memref<64xi32, #tpu.memory_space<vmem>>) semaphore(%arg10 : memref<!tpu.dma_semaphore, #tpu.memory_space<semaphore_mem>>)
    %dma_start3A_42 = arith.constant 4 : i32
    %dma_start3A_43 = arith.constant 0 : i32
    %dma_start3A_44 = arith.constant 0 : i32
    %dma_start3A_45 = tpu.memref_slice %arg6[%dma_start3A_42, %dma_start3A_43, %dma_start3A_44] : memref<10x64x128xf32, #tpu.memory_space<vmem>> -> memref<1x64x128xf32, #tpu.memory_space<vmem>>
    %dma_start3A_46 = tpu.memref_squeeze %dma_start3A_45 : memref<1x64x128xf32, #tpu.memory_space<vmem>> -> memref<64x128xf32, #tpu.memory_space<vmem>>
    %dma_start3A_47 = arith.constant 256 : i32
    %dma_start3A_48 = tpu.memref_slice %arg5[%dma_start3A_47] : memref<6400xi32, #tpu.memory_space<vmem>> -> memref<64xi32, #tpu.memory_space<vmem>>
    %dma_start3A_49 = arith.constant 0 : i32
    %dma_start3A_50 = arith.constant 0 : i32
    %dma_start3A_51 = tpu.memref_slice %arg2[%dma_start3A_49, %dma_start3A_50] : memref<100000x128xf32, #tpu.memory_space<hbm>> -> memref<100000x128xf32, #tpu.memory_space<hbm>>
    tpu.enqueue_indirect_dma source(%dma_start3A_51 : memref<100000x128xf32, #tpu.memory_space<hbm>>) target(%dma_start3A_46 : memref<64x128xf32, #tpu.memory_space<vmem>>) offsets(%dma_start3A_48 : memref<64xi32, #tpu.memory_space<vmem>>) semaphore(%arg11 : memref<!tpu.dma_semaphore, #tpu.memory_space<semaphore_mem>>)
    %dma_start3A_52 = arith.constant 5 : i32
    %dma_start3A_53 = arith.constant 0 : i32
    %dma_start3A_54 = arith.constant 0 : i32
    %dma_start3A_55 = tpu.memref_slice %arg6[%dma_start3A_52, %dma_start3A_53, %dma_start3A_54] : memref<10x64x128xf32, #tpu.memory_space<vmem>> -> memref<1x64x128xf32, #tpu.memory_space<vmem>>
    %dma_start3A_56 = tpu.memref_squeeze %dma_start3A_55 : memref<1x64x128xf32, #tpu.memory_space<vmem>> -> memref<64x128xf32, #tpu.memory_space<vmem>>
    %dma_start3A_57 = arith.constant 320 : i32
    %dma_start3A_58 = tpu.memref_slice %arg5[%dma_start3A_57] : memref<6400xi32, #tpu.memory_space<vmem>> -> memref<64xi32, #tpu.memory_space<vmem>>
    %dma_start3A_59 = arith.constant 0 : i32
    %dma_start3A_60 = arith.constant 0 : i32
    %dma_start3A_61 = tpu.memref_slice %arg2[%dma_start3A_59, %dma_start3A_60] : memref<100000x128xf32, #tpu.memory_space<hbm>> -> memref<100000x128xf32, #tpu.memory_space<hbm>>
    tpu.enqueue_indirect_dma source(%dma_start3A_61 : memref<100000x128xf32, #tpu.memory_space<hbm>>) target(%dma_start3A_56 : memref<64x128xf32, #tpu.memory_space<vmem>>) offsets(%dma_start3A_58 : memref<64xi32, #tpu.memory_space<vmem>>) semaphore(%arg12 : memref<!tpu.dma_semaphore, #tpu.memory_space<semaphore_mem>>)
    %dma_start3A_62 = arith.constant 6 : i32
    %dma_start3A_63 = arith.constant 0 : i32
    %dma_start3A_64 = arith.constant 0 : i32
    %dma_start3A_65 = tpu.memref_slice %arg6[%dma_start3A_62, %dma_start3A_63, %dma_start3A_64] : memref<10x64x128xf32, #tpu.memory_space<vmem>> -> memref<1x64x128xf32, #tpu.memory_space<vmem>>
    %dma_start3A_66 = tpu.memref_squeeze %dma_start3A_65 : memref<1x64x128xf32, #tpu.memory_space<vmem>> -> memref<64x128xf32, #tpu.memory_space<vmem>>
    %dma_start3A_67 = arith.constant 384 : i32
    %dma_start3A_68 = tpu.memref_slice %arg5[%dma_start3A_67] : memref<6400xi32, #tpu.memory_space<vmem>> -> memref<64xi32, #tpu.memory_space<vmem>>
    %dma_start3A_69 = arith.constant 0 : i32
    %dma_start3A_70 = arith.constant 0 : i32
    %dma_start3A_71 = tpu.memref_slice %arg2[%dma_start3A_69, %dma_start3A_70] : memref<100000x128xf32, #tpu.memory_space<hbm>> -> memref<100000x128xf32, #tpu.memory_space<hbm>>
    tpu.enqueue_indirect_dma source(%dma_start3A_71 : memref<100000x128xf32, #tpu.memory_space<hbm>>) target(%dma_start3A_66 : memref<64x128xf32, #tpu.memory_space<vmem>>) offsets(%dma_start3A_68 : memref<64xi32, #tpu.memory_space<vmem>>) semaphore(%arg13 : memref<!tpu.dma_semaphore, #tpu.memory_space<semaphore_mem>>)
    %dma_start3A_72 = arith.constant 7 : i32
    %dma_start3A_73 = arith.constant 0 : i32
    %dma_start3A_74 = arith.constant 0 : i32
    %dma_start3A_75 = tpu.memref_slice %arg6[%dma_start3A_72, %dma_start3A_73, %dma_start3A_74] : memref<10x64x128xf32, #tpu.memory_space<vmem>> -> memref<1x64x128xf32, #tpu.memory_space<vmem>>
    %dma_start3A_76 = tpu.memref_squeeze %dma_start3A_75 : memref<1x64x128xf32, #tpu.memory_space<vmem>> -> memref<64x128xf32, #tpu.memory_space<vmem>>
    %dma_start3A_77 = arith.constant 448 : i32
    %dma_start3A_78 = tpu.memref_slice %arg5[%dma_start3A_77] : memref<6400xi32, #tpu.memory_space<vmem>> -> memref<64xi32, #tpu.memory_space<vmem>>
    %dma_start3A_79 = arith.constant 0 : i32
    %dma_start3A_80 = arith.constant 0 : i32
    %dma_start3A_81 = tpu.memref_slice %arg2[%dma_start3A_79, %dma_start3A_80] : memref<100000x128xf32, #tpu.memory_space<hbm>> -> memref<100000x128xf32, #tpu.memory_space<hbm>>
    tpu.enqueue_indirect_dma source(%dma_start3A_81 : memref<100000x128xf32, #tpu.memory_space<hbm>>) target(%dma_start3A_76 : memref<64x128xf32, #tpu.memory_space<vmem>>) offsets(%dma_start3A_78 : memref<64xi32, #tpu.memory_space<vmem>>) semaphore(%arg14 : memref<!tpu.dma_semaphore, #tpu.memory_space<semaphore_mem>>)
    %dma_start3A_82 = arith.constant 8 : i32
    %dma_start3A_83 = arith.constant 0 : i32
    %dma_start3A_84 = arith.constant 0 : i32
    %dma_start3A_85 = tpu.memref_slice %arg6[%dma_start3A_82, %dma_start3A_83, %dma_start3A_84] : memref<10x64x128xf32, #tpu.memory_space<vmem>> -> memref<1x64x128xf32, #tpu.memory_space<vmem>>
    %dma_start3A_86 = tpu.memref_squeeze %dma_start3A_85 : memref<1x64x128xf32, #tpu.memory_space<vmem>> -> memref<64x128xf32, #tpu.memory_space<vmem>>
    %dma_start3A_87 = arith.constant 512 : i32
    %dma_start3A_88 = tpu.memref_slice %arg5[%dma_start3A_87] : memref<6400xi32, #tpu.memory_space<vmem>> -> memref<64xi32, #tpu.memory_space<vmem>>
    %dma_start3A_89 = arith.constant 0 : i32
    %dma_start3A_90 = arith.constant 0 : i32
    %dma_start3A_91 = tpu.memref_slice %arg2[%dma_start3A_89, %dma_start3A_90] : memref<100000x128xf32, #tpu.memory_space<hbm>> -> memref<100000x128xf32, #tpu.memory_space<hbm>>
    tpu.enqueue_indirect_dma source(%dma_start3A_91 : memref<100000x128xf32, #tpu.memory_space<hbm>>) target(%dma_start3A_86 : memref<64x128xf32, #tpu.memory_space<vmem>>) offsets(%dma_start3A_88 : memref<64xi32, #tpu.memory_space<vmem>>) semaphore(%arg15 : memref<!tpu.dma_semaphore, #tpu.memory_space<semaphore_mem>>)
    %dma_start3A_92 = arith.constant 9 : i32
    %dma_start3A_93 = arith.constant 0 : i32
    %dma_start3A_94 = arith.constant 0 : i32
    %dma_start3A_95 = tpu.memref_slice %arg6[%dma_start3A_92, %dma_start3A_93, %dma_start3A_94] : memref<10x64x128xf32, #tpu.memory_space<vmem>> -> memref<1x64x128xf32, #tpu.memory_space<vmem>>
    %dma_start3A_96 = tpu.memref_squeeze %dma_start3A_95 : memref<1x64x128xf32, #tpu.memory_space<vmem>> -> memref<64x128xf32, #tpu.memory_space<vmem>>
    %dma_start3A_97 = arith.constant 576 : i32
    %dma_start3A_98 = tpu.memref_slice %arg5[%dma_start3A_97] : memref<6400xi32, #tpu.memory_space<vmem>> -> memref<64xi32, #tpu.memory_space<vmem>>
    %dma_start3A_99 = arith.constant 0 : i32
    %dma_start3A_100 = arith.constant 0 : i32
    %dma_start3A_101 = tpu.memref_slice %arg2[%dma_start3A_99, %dma_start3A_100] : memref<100000x128xf32, #tpu.memory_space<hbm>> -> memref<100000x128xf32, #tpu.memory_space<hbm>>
    tpu.enqueue_indirect_dma source(%dma_start3A_101 : memref<100000x128xf32, #tpu.memory_space<hbm>>) target(%dma_start3A_96 : memref<64x128xf32, #tpu.memory_space<vmem>>) offsets(%dma_start3A_98 : memref<64xi32, #tpu.memory_space<vmem>>) semaphore(%arg16 : memref<!tpu.dma_semaphore, #tpu.memory_space<semaphore_mem>>)
    %scan3A = arith.constant 0 : i32
    %scan3A_102 = arith.constant 0 : i32
    %scan3A_103 = arith.constant 10 : i32
    %scan3A_104 = arith.addi %scan3A_102, %scan3A_103 : i32
    %scan3A_105 = arith.constant 1 : i32
    scf.for %scan3A_256 = %scan3A_102 to %scan3A_104 step %scan3A_105  : i32 {
      %mul3A_257 = arith.constant 10 : i32
      %mul3A_258 = arith.muli %scan3A_256, %mul3A_257 : i32
      %add3A_259 = arith.constant 0 : i32
      %add3A_260 = arith.addi %mul3A_258, %add3A_259 : i32
      %mul3A_261 = arith.constant 64 : i32
      %mul3A_262 = arith.muli %add3A_260, %mul3A_261 : i32
      %dma_wait3A_263 = arith.constant 0 : i32
      %dma_wait3A_264 = arith.constant 0 : i32
      %dma_wait3A_265 = arith.constant 0 : i32
      %dma_wait3A_266 = tpu.memref_slice %arg6[%dma_wait3A_263, %dma_wait3A_264, %dma_wait3A_265] : memref<10x64x128xf32, #tpu.memory_space<vmem>> -> memref<1x64x128xf32, #tpu.memory_space<vmem>>
      %dma_wait3A_267 = tpu.memref_squeeze %dma_wait3A_266 : memref<1x64x128xf32, #tpu.memory_space<vmem>> -> memref<64x128xf32, #tpu.memory_space<vmem>>
      %dma_wait3A_268 = tpu.memref_slice %arg5[%mul3A_262] : memref<6400xi32, #tpu.memory_space<vmem>> -> memref<64xi32, #tpu.memory_space<vmem>>
      %dma_wait3A_269 = arith.constant 0 : i32
      %dma_wait3A_270 = arith.constant 0 : i32
      %dma_wait3A_271 = tpu.memref_slice %arg2[%dma_wait3A_269, %dma_wait3A_270] : memref<100000x128xf32, #tpu.memory_space<hbm>> -> memref<100000x128xf32, #tpu.memory_space<hbm>>
      tpu.wait_indirect_dma semaphore(%arg7 : memref<!tpu.dma_semaphore, #tpu.memory_space<semaphore_mem>>) src(%dma_wait3A_271 : memref<100000x128xf32, #tpu.memory_space<hbm>>) dst(%dma_wait3A_267 : memref<64x128xf32, #tpu.memory_space<vmem>>)
      %mul3A_272 = arith.constant 64 : i32
      %mul3A_273 = arith.muli %add3A_260, %mul3A_272 : i32
      %add3A_274 = arith.addi %mul3A_2, %mul3A_273 : i32
      %dma_start3A_275 = arith.constant 0 : i32
      %dma_start3A_276 = arith.constant 0 : i32
      %dma_start3A_277 = arith.constant 0 : i32
      %dma_start3A_278 = tpu.memref_slice %arg6[%dma_start3A_275, %dma_start3A_276, %dma_start3A_277] : memref<10x64x128xf32, #tpu.memory_space<vmem>> -> memref<1x64x128xf32, #tpu.memory_space<vmem>>
      %dma_start3A_279 = tpu.memref_squeeze %dma_start3A_278 : memref<1x64x128xf32, #tpu.memory_space<vmem>> -> memref<64x128xf32, #tpu.memory_space<vmem>>
      %dma_start3A_280 = arith.constant 0 : i32
      %dma_start3A_281 = tpu.memref_slice %arg4[%add3A_274, %dma_start3A_280] : memref<204800x128xf32, #tpu.memory_space<hbm>> -> memref<64x128xf32, #tpu.memory_space<hbm>>
      %dma_start3A_282 = arith.constant 0 : i32
      %dma_start3A_283 = tpu.memref_slice %arg4[%add3A_274, %dma_start3A_282] : memref<204800x128xf32, #tpu.memory_space<hbm>> -> memref<64x128xf32, #tpu.memory_space<hbm>>
      %dma_start3A_284 = arith.constant 0 : i32
      %dma_start3A_285 = arith.constant 0 : i32
      %dma_start3A_286 = tpu.memref_slice %arg6[%dma_start3A_275, %dma_start3A_284, %dma_start3A_285] : memref<10x64x128xf32, #tpu.memory_space<vmem>> -> memref<1x64x128xf32, #tpu.memory_space<vmem>>
      %dma_start3A_287 = tpu.memref_squeeze %dma_start3A_286 : memref<1x64x128xf32, #tpu.memory_space<vmem>> -> memref<64x128xf32, #tpu.memory_space<vmem>>
      tpu.enqueue_dma source(%dma_start3A_287 : memref<64x128xf32, #tpu.memory_space<vmem>>) target(%dma_start3A_283 : memref<64x128xf32, #tpu.memory_space<hbm>>) target_semaphore(%arg17 : memref<!tpu.dma_semaphore, #tpu.memory_space<semaphore_mem>>)
      %add3A_288 = arith.constant 10 : i32
      %add3A_289 = arith.addi %add3A_260, %add3A_288 : i32
      %lt3A = arith.constant 100 : i32
      %lt3A_290 = arith.cmpi slt, %add3A_289, %lt3A : i32
      %convert_element_type3A = arith.extui %lt3A_290 : i1 to i32
      %cond3A = arith.constant 0 : i32
      %cond3A_291 = arith.cmpi ne, %convert_element_type3A, %cond3A : i32
      scf.if %cond3A_291 {
        %mul3A_616 = arith.constant 64 : i32
        %mul3A_617 = arith.muli %add3A_260, %mul3A_616 : i32
        %add3A_618 = arith.addi %mul3A_2, %mul3A_617 : i32
        %dma_wait3A_619 = arith.constant 0 : i32
        %dma_wait3A_620 = arith.constant 0 : i32
        %dma_wait3A_621 = arith.constant 0 : i32
        %dma_wait3A_622 = tpu.memref_slice %arg6[%dma_wait3A_619, %dma_wait3A_620, %dma_wait3A_621] : memref<10x64x128xf32, #tpu.memory_space<vmem>> -> memref<1x64x128xf32, #tpu.memory_space<vmem>>
        %dma_wait3A_623 = tpu.memref_squeeze %dma_wait3A_622 : memref<1x64x128xf32, #tpu.memory_space<vmem>> -> memref<64x128xf32, #tpu.memory_space<vmem>>
        %dma_wait3A_624 = arith.constant 0 : i32
        %dma_wait3A_625 = tpu.memref_slice %arg4[%add3A_618, %dma_wait3A_624] : memref<204800x128xf32, #tpu.memory_space<hbm>> -> memref<64x128xf32, #tpu.memory_space<hbm>>
        %dma_wait3A_626 = arith.constant 0 : i32
        %dma_wait3A_627 = tpu.memref_slice %arg4[%add3A_618, %dma_wait3A_626] : memref<204800x128xf32, #tpu.memory_space<hbm>> -> memref<64x128xf32, #tpu.memory_space<hbm>>
        %dma_wait3A_628 = arith.constant 0 : i32
        %dma_wait3A_629 = arith.constant 0 : i32
        %dma_wait3A_630 = tpu.memref_slice %arg6[%dma_wait3A_619, %dma_wait3A_628, %dma_wait3A_629] : memref<10x64x128xf32, #tpu.memory_space<vmem>> -> memref<1x64x128xf32, #tpu.memory_space<vmem>>
        %dma_wait3A_631 = tpu.memref_squeeze %dma_wait3A_630 : memref<1x64x128xf32, #tpu.memory_space<vmem>> -> memref<64x128xf32, #tpu.memory_space<vmem>>
        tpu.wait_dma2 semaphore(%arg17 : memref<!tpu.dma_semaphore, #tpu.memory_space<semaphore_mem>>) src(%dma_wait3A_631 : memref<64x128xf32, #tpu.memory_space<vmem>>) dst(%dma_wait3A_627 : memref<64x128xf32, #tpu.memory_space<hbm>>)
        %add3A_632 = arith.constant 10 : i32
        %add3A_633 = arith.addi %add3A_260, %add3A_632 : i32
        %mul3A_634 = arith.constant 64 : i32
        %mul3A_635 = arith.muli %add3A_633, %mul3A_634 : i32
        %dma_start3A_636 = arith.constant 0 : i32
        %dma_start3A_637 = arith.constant 0 : i32
        %dma_start3A_638 = arith.constant 0 : i32
        %dma_start3A_639 = tpu.memref_slice %arg6[%dma_start3A_636, %dma_start3A_637, %dma_start3A_638] : memref<10x64x128xf32, #tpu.memory_space<vmem>> -> memref<1x64x128xf32, #tpu.memory_space<vmem>>
        %dma_start3A_640 = tpu.memref_squeeze %dma_start3A_639 : memref<1x64x128xf32, #tpu.memory_space<vmem>> -> memref<64x128xf32, #tpu.memory_space<vmem>>
        %dma_start3A_641 = tpu.memref_slice %arg5[%mul3A_635] : memref<6400xi32, #tpu.memory_space<vmem>> -> memref<64xi32, #tpu.memory_space<vmem>>
        %dma_start3A_642 = arith.constant 0 : i32
        %dma_start3A_643 = arith.constant 0 : i32
        %dma_start3A_644 = tpu.memref_slice %arg2[%dma_start3A_642, %dma_start3A_643] : memref<100000x128xf32, #tpu.memory_space<hbm>> -> memref<100000x128xf32, #tpu.memory_space<hbm>>
        tpu.enqueue_indirect_dma source(%dma_start3A_644 : memref<100000x128xf32, #tpu.memory_space<hbm>>) target(%dma_start3A_640 : memref<64x128xf32, #tpu.memory_space<vmem>>) offsets(%dma_start3A_641 : memref<64xi32, #tpu.memory_space<vmem>>) semaphore(%arg7 : memref<!tpu.dma_semaphore, #tpu.memory_space<semaphore_mem>>)
      } else {
      }
      %add3A_292 = arith.constant 1 : i32
      %add3A_293 = arith.addi %mul3A_258, %add3A_292 : i32
      %mul3A_294 = arith.constant 64 : i32
      %mul3A_295 = arith.muli %add3A_293, %mul3A_294 : i32
      %dma_wait3A_296 = arith.constant 1 : i32
      %dma_wait3A_297 = arith.constant 0 : i32
      %dma_wait3A_298 = arith.constant 0 : i32
      %dma_wait3A_299 = tpu.memref_slice %arg6[%dma_wait3A_296, %dma_wait3A_297, %dma_wait3A_298] : memref<10x64x128xf32, #tpu.memory_space<vmem>> -> memref<1x64x128xf32, #tpu.memory_space<vmem>>
      %dma_wait3A_300 = tpu.memref_squeeze %dma_wait3A_299 : memref<1x64x128xf32, #tpu.memory_space<vmem>> -> memref<64x128xf32, #tpu.memory_space<vmem>>
      %dma_wait3A_301 = tpu.memref_slice %arg5[%mul3A_295] : memref<6400xi32, #tpu.memory_space<vmem>> -> memref<64xi32, #tpu.memory_space<vmem>>
      %dma_wait3A_302 = arith.constant 0 : i32
      %dma_wait3A_303 = arith.constant 0 : i32
      %dma_wait3A_304 = tpu.memref_slice %arg2[%dma_wait3A_302, %dma_wait3A_303] : memref<100000x128xf32, #tpu.memory_space<hbm>> -> memref<100000x128xf32, #tpu.memory_space<hbm>>
      tpu.wait_indirect_dma semaphore(%arg8 : memref<!tpu.dma_semaphore, #tpu.memory_space<semaphore_mem>>) src(%dma_wait3A_304 : memref<100000x128xf32, #tpu.memory_space<hbm>>) dst(%dma_wait3A_300 : memref<64x128xf32, #tpu.memory_space<vmem>>)
      %mul3A_305 = arith.constant 64 : i32
      %mul3A_306 = arith.muli %add3A_293, %mul3A_305 : i32
      %add3A_307 = arith.addi %mul3A_2, %mul3A_306 : i32
      %dma_start3A_308 = arith.constant 1 : i32
      %dma_start3A_309 = arith.constant 0 : i32
      %dma_start3A_310 = arith.constant 0 : i32
      %dma_start3A_311 = tpu.memref_slice %arg6[%dma_start3A_308, %dma_start3A_309, %dma_start3A_310] : memref<10x64x128xf32, #tpu.memory_space<vmem>> -> memref<1x64x128xf32, #tpu.memory_space<vmem>>
      %dma_start3A_312 = tpu.memref_squeeze %dma_start3A_311 : memref<1x64x128xf32, #tpu.memory_space<vmem>> -> memref<64x128xf32, #tpu.memory_space<vmem>>
      %dma_start3A_313 = arith.constant 0 : i32
      %dma_start3A_314 = tpu.memref_slice %arg4[%add3A_307, %dma_start3A_313] : memref<204800x128xf32, #tpu.memory_space<hbm>> -> memref<64x128xf32, #tpu.memory_space<hbm>>
      %dma_start3A_315 = arith.constant 0 : i32
      %dma_start3A_316 = tpu.memref_slice %arg4[%add3A_307, %dma_start3A_315] : memref<204800x128xf32, #tpu.memory_space<hbm>> -> memref<64x128xf32, #tpu.memory_space<hbm>>
      %dma_start3A_317 = arith.constant 0 : i32
      %dma_start3A_318 = arith.constant 0 : i32
      %dma_start3A_319 = tpu.memref_slice %arg6[%dma_start3A_308, %dma_start3A_317, %dma_start3A_318] : memref<10x64x128xf32, #tpu.memory_space<vmem>> -> memref<1x64x128xf32, #tpu.memory_space<vmem>>
      %dma_start3A_320 = tpu.memref_squeeze %dma_start3A_319 : memref<1x64x128xf32, #tpu.memory_space<vmem>> -> memref<64x128xf32, #tpu.memory_space<vmem>>
      tpu.enqueue_dma source(%dma_start3A_320 : memref<64x128xf32, #tpu.memory_space<vmem>>) target(%dma_start3A_316 : memref<64x128xf32, #tpu.memory_space<hbm>>) target_semaphore(%arg18 : memref<!tpu.dma_semaphore, #tpu.memory_space<semaphore_mem>>)
      %add3A_321 = arith.constant 10 : i32
      %add3A_322 = arith.addi %add3A_293, %add3A_321 : i32
      %lt3A_323 = arith.constant 100 : i32
      %lt3A_324 = arith.cmpi slt, %add3A_322, %lt3A_323 : i32
      %convert_element_type3A_325 = arith.extui %lt3A_324 : i1 to i32
      %cond3A_326 = arith.constant 0 : i32
      %cond3A_327 = arith.cmpi ne, %convert_element_type3A_325, %cond3A_326 : i32
      scf.if %cond3A_327 {
        %mul3A_616 = arith.constant 64 : i32
        %mul3A_617 = arith.muli %add3A_293, %mul3A_616 : i32
        %add3A_618 = arith.addi %mul3A_2, %mul3A_617 : i32
        %dma_wait3A_619 = arith.constant 1 : i32
        %dma_wait3A_620 = arith.constant 0 : i32
        %dma_wait3A_621 = arith.constant 0 : i32
        %dma_wait3A_622 = tpu.memref_slice %arg6[%dma_wait3A_619, %dma_wait3A_620, %dma_wait3A_621] : memref<10x64x128xf32, #tpu.memory_space<vmem>> -> memref<1x64x128xf32, #tpu.memory_space<vmem>>
        %dma_wait3A_623 = tpu.memref_squeeze %dma_wait3A_622 : memref<1x64x128xf32, #tpu.memory_space<vmem>> -> memref<64x128xf32, #tpu.memory_space<vmem>>
        %dma_wait3A_624 = arith.constant 0 : i32
        %dma_wait3A_625 = tpu.memref_slice %arg4[%add3A_618, %dma_wait3A_624] : memref<204800x128xf32, #tpu.memory_space<hbm>> -> memref<64x128xf32, #tpu.memory_space<hbm>>
        %dma_wait3A_626 = arith.constant 0 : i32
        %dma_wait3A_627 = tpu.memref_slice %arg4[%add3A_618, %dma_wait3A_626] : memref<204800x128xf32, #tpu.memory_space<hbm>> -> memref<64x128xf32, #tpu.memory_space<hbm>>
        %dma_wait3A_628 = arith.constant 0 : i32
        %dma_wait3A_629 = arith.constant 0 : i32
        %dma_wait3A_630 = tpu.memref_slice %arg6[%dma_wait3A_619, %dma_wait3A_628, %dma_wait3A_629] : memref<10x64x128xf32, #tpu.memory_space<vmem>> -> memref<1x64x128xf32, #tpu.memory_space<vmem>>
        %dma_wait3A_631 = tpu.memref_squeeze %dma_wait3A_630 : memref<1x64x128xf32, #tpu.memory_space<vmem>> -> memref<64x128xf32, #tpu.memory_space<vmem>>
        tpu.wait_dma2 semaphore(%arg18 : memref<!tpu.dma_semaphore, #tpu.memory_space<semaphore_mem>>) src(%dma_wait3A_631 : memref<64x128xf32, #tpu.memory_space<vmem>>) dst(%dma_wait3A_627 : memref<64x128xf32, #tpu.memory_space<hbm>>)
        %add3A_632 = arith.constant 10 : i32
        %add3A_633 = arith.addi %add3A_293, %add3A_632 : i32
        %mul3A_634 = arith.constant 64 : i32
        %mul3A_635 = arith.muli %add3A_633, %mul3A_634 : i32
        %dma_start3A_636 = arith.constant 1 : i32
        %dma_start3A_637 = arith.constant 0 : i32
        %dma_start3A_638 = arith.constant 0 : i32
        %dma_start3A_639 = tpu.memref_slice %arg6[%dma_start3A_636, %dma_start3A_637, %dma_start3A_638] : memref<10x64x128xf32, #tpu.memory_space<vmem>> -> memref<1x64x128xf32, #tpu.memory_space<vmem>>
        %dma_start3A_640 = tpu.memref_squeeze %dma_start3A_639 : memref<1x64x128xf32, #tpu.memory_space<vmem>> -> memref<64x128xf32, #tpu.memory_space<vmem>>
        %dma_start3A_641 = tpu.memref_slice %arg5[%mul3A_635] : memref<6400xi32, #tpu.memory_space<vmem>> -> memref<64xi32, #tpu.memory_space<vmem>>
        %dma_start3A_642 = arith.constant 0 : i32
        %dma_start3A_643 = arith.constant 0 : i32
        %dma_start3A_644 = tpu.memref_slice %arg2[%dma_start3A_642, %dma_start3A_643] : memref<100000x128xf32, #tpu.memory_space<hbm>> -> memref<100000x128xf32, #tpu.memory_space<hbm>>
        tpu.enqueue_indirect_dma source(%dma_start3A_644 : memref<100000x128xf32, #tpu.memory_space<hbm>>) target(%dma_start3A_640 : memref<64x128xf32, #tpu.memory_space<vmem>>) offsets(%dma_start3A_641 : memref<64xi32, #tpu.memory_space<vmem>>) semaphore(%arg8 : memref<!tpu.dma_semaphore, #tpu.memory_space<semaphore_mem>>)
      } else {
      }
      %add3A_328 = arith.constant 2 : i32
      %add3A_329 = arith.addi %mul3A_258, %add3A_328 : i32
      %mul3A_330 = arith.constant 64 : i32
      %mul3A_331 = arith.muli %add3A_329, %mul3A_330 : i32
      %dma_wait3A_332 = arith.constant 2 : i32
      %dma_wait3A_333 = arith.constant 0 : i32
      %dma_wait3A_334 = arith.constant 0 : i32
      %dma_wait3A_335 = tpu.memref_slice %arg6[%dma_wait3A_332, %dma_wait3A_333, %dma_wait3A_334] : memref<10x64x128xf32, #tpu.memory_space<vmem>> -> memref<1x64x128xf32, #tpu.memory_space<vmem>>
      %dma_wait3A_336 = tpu.memref_squeeze %dma_wait3A_335 : memref<1x64x128xf32, #tpu.memory_space<vmem>> -> memref<64x128xf32, #tpu.memory_space<vmem>>
      %dma_wait3A_337 = tpu.memref_slice %arg5[%mul3A_331] : memref<6400xi32, #tpu.memory_space<vmem>> -> memref<64xi32, #tpu.memory_space<vmem>>
      %dma_wait3A_338 = arith.constant 0 : i32
      %dma_wait3A_339 = arith.constant 0 : i32
      %dma_wait3A_340 = tpu.memref_slice %arg2[%dma_wait3A_338, %dma_wait3A_339] : memref<100000x128xf32, #tpu.memory_space<hbm>> -> memref<100000x128xf32, #tpu.memory_space<hbm>>
      tpu.wait_indirect_dma semaphore(%arg9 : memref<!tpu.dma_semaphore, #tpu.memory_space<semaphore_mem>>) src(%dma_wait3A_340 : memref<100000x128xf32, #tpu.memory_space<hbm>>) dst(%dma_wait3A_336 : memref<64x128xf32, #tpu.memory_space<vmem>>)
      %mul3A_341 = arith.constant 64 : i32
      %mul3A_342 = arith.muli %add3A_329, %mul3A_341 : i32
      %add3A_343 = arith.addi %mul3A_2, %mul3A_342 : i32
      %dma_start3A_344 = arith.constant 2 : i32
      %dma_start3A_345 = arith.constant 0 : i32
      %dma_start3A_346 = arith.constant 0 : i32
      %dma_start3A_347 = tpu.memref_slice %arg6[%dma_start3A_344, %dma_start3A_345, %dma_start3A_346] : memref<10x64x128xf32, #tpu.memory_space<vmem>> -> memref<1x64x128xf32, #tpu.memory_space<vmem>>
      %dma_start3A_348 = tpu.memref_squeeze %dma_start3A_347 : memref<1x64x128xf32, #tpu.memory_space<vmem>> -> memref<64x128xf32, #tpu.memory_space<vmem>>
      %dma_start3A_349 = arith.constant 0 : i32
      %dma_start3A_350 = tpu.memref_slice %arg4[%add3A_343, %dma_start3A_349] : memref<204800x128xf32, #tpu.memory_space<hbm>> -> memref<64x128xf32, #tpu.memory_space<hbm>>
      %dma_start3A_351 = arith.constant 0 : i32
      %dma_start3A_352 = tpu.memref_slice %arg4[%add3A_343, %dma_start3A_351] : memref<204800x128xf32, #tpu.memory_space<hbm>> -> memref<64x128xf32, #tpu.memory_space<hbm>>
      %dma_start3A_353 = arith.constant 0 : i32
      %dma_start3A_354 = arith.constant 0 : i32
      %dma_start3A_355 = tpu.memref_slice %arg6[%dma_start3A_344, %dma_start3A_353, %dma_start3A_354] : memref<10x64x128xf32, #tpu.memory_space<vmem>> -> memref<1x64x128xf32, #tpu.memory_space<vmem>>
      %dma_start3A_356 = tpu.memref_squeeze %dma_start3A_355 : memref<1x64x128xf32, #tpu.memory_space<vmem>> -> memref<64x128xf32, #tpu.memory_space<vmem>>
      tpu.enqueue_dma source(%dma_start3A_356 : memref<64x128xf32, #tpu.memory_space<vmem>>) target(%dma_start3A_352 : memref<64x128xf32, #tpu.memory_space<hbm>>) target_semaphore(%arg19 : memref<!tpu.dma_semaphore, #tpu.memory_space<semaphore_mem>>)
      %add3A_357 = arith.constant 10 : i32
      %add3A_358 = arith.addi %add3A_329, %add3A_357 : i32
      %lt3A_359 = arith.constant 100 : i32
      %lt3A_360 = arith.cmpi slt, %add3A_358, %lt3A_359 : i32
      %convert_element_type3A_361 = arith.extui %lt3A_360 : i1 to i32
      %cond3A_362 = arith.constant 0 : i32
      %cond3A_363 = arith.cmpi ne, %convert_element_type3A_361, %cond3A_362 : i32
      scf.if %cond3A_363 {
        %mul3A_616 = arith.constant 64 : i32
        %mul3A_617 = arith.muli %add3A_329, %mul3A_616 : i32
        %add3A_618 = arith.addi %mul3A_2, %mul3A_617 : i32
        %dma_wait3A_619 = arith.constant 2 : i32
        %dma_wait3A_620 = arith.constant 0 : i32
        %dma_wait3A_621 = arith.constant 0 : i32
        %dma_wait3A_622 = tpu.memref_slice %arg6[%dma_wait3A_619, %dma_wait3A_620, %dma_wait3A_621] : memref<10x64x128xf32, #tpu.memory_space<vmem>> -> memref<1x64x128xf32, #tpu.memory_space<vmem>>
        %dma_wait3A_623 = tpu.memref_squeeze %dma_wait3A_622 : memref<1x64x128xf32, #tpu.memory_space<vmem>> -> memref<64x128xf32, #tpu.memory_space<vmem>>
        %dma_wait3A_624 = arith.constant 0 : i32
        %dma_wait3A_625 = tpu.memref_slice %arg4[%add3A_618, %dma_wait3A_624] : memref<204800x128xf32, #tpu.memory_space<hbm>> -> memref<64x128xf32, #tpu.memory_space<hbm>>
        %dma_wait3A_626 = arith.constant 0 : i32
        %dma_wait3A_627 = tpu.memref_slice %arg4[%add3A_618, %dma_wait3A_626] : memref<204800x128xf32, #tpu.memory_space<hbm>> -> memref<64x128xf32, #tpu.memory_space<hbm>>
        %dma_wait3A_628 = arith.constant 0 : i32
        %dma_wait3A_629 = arith.constant 0 : i32
        %dma_wait3A_630 = tpu.memref_slice %arg6[%dma_wait3A_619, %dma_wait3A_628, %dma_wait3A_629] : memref<10x64x128xf32, #tpu.memory_space<vmem>> -> memref<1x64x128xf32, #tpu.memory_space<vmem>>
        %dma_wait3A_631 = tpu.memref_squeeze %dma_wait3A_630 : memref<1x64x128xf32, #tpu.memory_space<vmem>> -> memref<64x128xf32, #tpu.memory_space<vmem>>
        tpu.wait_dma2 semaphore(%arg19 : memref<!tpu.dma_semaphore, #tpu.memory_space<semaphore_mem>>) src(%dma_wait3A_631 : memref<64x128xf32, #tpu.memory_space<vmem>>) dst(%dma_wait3A_627 : memref<64x128xf32, #tpu.memory_space<hbm>>)
        %add3A_632 = arith.constant 10 : i32
        %add3A_633 = arith.addi %add3A_329, %add3A_632 : i32
        %mul3A_634 = arith.constant 64 : i32
        %mul3A_635 = arith.muli %add3A_633, %mul3A_634 : i32
        %dma_start3A_636 = arith.constant 2 : i32
        %dma_start3A_637 = arith.constant 0 : i32
        %dma_start3A_638 = arith.constant 0 : i32
        %dma_start3A_639 = tpu.memref_slice %arg6[%dma_start3A_636, %dma_start3A_637, %dma_start3A_638] : memref<10x64x128xf32, #tpu.memory_space<vmem>> -> memref<1x64x128xf32, #tpu.memory_space<vmem>>
        %dma_start3A_640 = tpu.memref_squeeze %dma_start3A_639 : memref<1x64x128xf32, #tpu.memory_space<vmem>> -> memref<64x128xf32, #tpu.memory_space<vmem>>
        %dma_start3A_641 = tpu.memref_slice %arg5[%mul3A_635] : memref<6400xi32, #tpu.memory_space<vmem>> -> memref<64xi32, #tpu.memory_space<vmem>>
        %dma_start3A_642 = arith.constant 0 : i32
        %dma_start3A_643 = arith.constant 0 : i32
        %dma_start3A_644 = tpu.memref_slice %arg2[%dma_start3A_642, %dma_start3A_643] : memref<100000x128xf32, #tpu.memory_space<hbm>> -> memref<100000x128xf32, #tpu.memory_space<hbm>>
        tpu.enqueue_indirect_dma source(%dma_start3A_644 : memref<100000x128xf32, #tpu.memory_space<hbm>>) target(%dma_start3A_640 : memref<64x128xf32, #tpu.memory_space<vmem>>) offsets(%dma_start3A_641 : memref<64xi32, #tpu.memory_space<vmem>>) semaphore(%arg9 : memref<!tpu.dma_semaphore, #tpu.memory_space<semaphore_mem>>)
      } else {
      }
      %add3A_364 = arith.constant 3 : i32
      %add3A_365 = arith.addi %mul3A_258, %add3A_364 : i32
      %mul3A_366 = arith.constant 64 : i32
      %mul3A_367 = arith.muli %add3A_365, %mul3A_366 : i32
      %dma_wait3A_368 = arith.constant 3 : i32
      %dma_wait3A_369 = arith.constant 0 : i32
      %dma_wait3A_370 = arith.constant 0 : i32
      %dma_wait3A_371 = tpu.memref_slice %arg6[%dma_wait3A_368, %dma_wait3A_369, %dma_wait3A_370] : memref<10x64x128xf32, #tpu.memory_space<vmem>> -> memref<1x64x128xf32, #tpu.memory_space<vmem>>
      %dma_wait3A_372 = tpu.memref_squeeze %dma_wait3A_371 : memref<1x64x128xf32, #tpu.memory_space<vmem>> -> memref<64x128xf32, #tpu.memory_space<vmem>>
      %dma_wait3A_373 = tpu.memref_slice %arg5[%mul3A_367] : memref<6400xi32, #tpu.memory_space<vmem>> -> memref<64xi32, #tpu.memory_space<vmem>>
      %dma_wait3A_374 = arith.constant 0 : i32
      %dma_wait3A_375 = arith.constant 0 : i32
      %dma_wait3A_376 = tpu.memref_slice %arg2[%dma_wait3A_374, %dma_wait3A_375] : memref<100000x128xf32, #tpu.memory_space<hbm>> -> memref<100000x128xf32, #tpu.memory_space<hbm>>
      tpu.wait_indirect_dma semaphore(%arg10 : memref<!tpu.dma_semaphore, #tpu.memory_space<semaphore_mem>>) src(%dma_wait3A_376 : memref<100000x128xf32, #tpu.memory_space<hbm>>) dst(%dma_wait3A_372 : memref<64x128xf32, #tpu.memory_space<vmem>>)
      %mul3A_377 = arith.constant 64 : i32
      %mul3A_378 = arith.muli %add3A_365, %mul3A_377 : i32
      %add3A_379 = arith.addi %mul3A_2, %mul3A_378 : i32
      %dma_start3A_380 = arith.constant 3 : i32
      %dma_start3A_381 = arith.constant 0 : i32
      %dma_start3A_382 = arith.constant 0 : i32
      %dma_start3A_383 = tpu.memref_slice %arg6[%dma_start3A_380, %dma_start3A_381, %dma_start3A_382] : memref<10x64x128xf32, #tpu.memory_space<vmem>> -> memref<1x64x128xf32, #tpu.memory_space<vmem>>
      %dma_start3A_384 = tpu.memref_squeeze %dma_start3A_383 : memref<1x64x128xf32, #tpu.memory_space<vmem>> -> memref<64x128xf32, #tpu.memory_space<vmem>>
      %dma_start3A_385 = arith.constant 0 : i32
      %dma_start3A_386 = tpu.memref_slice %arg4[%add3A_379, %dma_start3A_385] : memref<204800x128xf32, #tpu.memory_space<hbm>> -> memref<64x128xf32, #tpu.memory_space<hbm>>
      %dma_start3A_387 = arith.constant 0 : i32
      %dma_start3A_388 = tpu.memref_slice %arg4[%add3A_379, %dma_start3A_387] : memref<204800x128xf32, #tpu.memory_space<hbm>> -> memref<64x128xf32, #tpu.memory_space<hbm>>
      %dma_start3A_389 = arith.constant 0 : i32
      %dma_start3A_390 = arith.constant 0 : i32
      %dma_start3A_391 = tpu.memref_slice %arg6[%dma_start3A_380, %dma_start3A_389, %dma_start3A_390] : memref<10x64x128xf32, #tpu.memory_space<vmem>> -> memref<1x64x128xf32, #tpu.memory_space<vmem>>
      %dma_start3A_392 = tpu.memref_squeeze %dma_start3A_391 : memref<1x64x128xf32, #tpu.memory_space<vmem>> -> memref<64x128xf32, #tpu.memory_space<vmem>>
      tpu.enqueue_dma source(%dma_start3A_392 : memref<64x128xf32, #tpu.memory_space<vmem>>) target(%dma_start3A_388 : memref<64x128xf32, #tpu.memory_space<hbm>>) target_semaphore(%arg20 : memref<!tpu.dma_semaphore, #tpu.memory_space<semaphore_mem>>)
      %add3A_393 = arith.constant 10 : i32
      %add3A_394 = arith.addi %add3A_365, %add3A_393 : i32
      %lt3A_395 = arith.constant 100 : i32
      %lt3A_396 = arith.cmpi slt, %add3A_394, %lt3A_395 : i32
      %convert_element_type3A_397 = arith.extui %lt3A_396 : i1 to i32
      %cond3A_398 = arith.constant 0 : i32
      %cond3A_399 = arith.cmpi ne, %convert_element_type3A_397, %cond3A_398 : i32
      scf.if %cond3A_399 {
        %mul3A_616 = arith.constant 64 : i32
        %mul3A_617 = arith.muli %add3A_365, %mul3A_616 : i32
        %add3A_618 = arith.addi %mul3A_2, %mul3A_617 : i32
        %dma_wait3A_619 = arith.constant 3 : i32
        %dma_wait3A_620 = arith.constant 0 : i32
        %dma_wait3A_621 = arith.constant 0 : i32
        %dma_wait3A_622 = tpu.memref_slice %arg6[%dma_wait3A_619, %dma_wait3A_620, %dma_wait3A_621] : memref<10x64x128xf32, #tpu.memory_space<vmem>> -> memref<1x64x128xf32, #tpu.memory_space<vmem>>
        %dma_wait3A_623 = tpu.memref_squeeze %dma_wait3A_622 : memref<1x64x128xf32, #tpu.memory_space<vmem>> -> memref<64x128xf32, #tpu.memory_space<vmem>>
        %dma_wait3A_624 = arith.constant 0 : i32
        %dma_wait3A_625 = tpu.memref_slice %arg4[%add3A_618, %dma_wait3A_624] : memref<204800x128xf32, #tpu.memory_space<hbm>> -> memref<64x128xf32, #tpu.memory_space<hbm>>
        %dma_wait3A_626 = arith.constant 0 : i32
        %dma_wait3A_627 = tpu.memref_slice %arg4[%add3A_618, %dma_wait3A_626] : memref<204800x128xf32, #tpu.memory_space<hbm>> -> memref<64x128xf32, #tpu.memory_space<hbm>>
        %dma_wait3A_628 = arith.constant 0 : i32
        %dma_wait3A_629 = arith.constant 0 : i32
        %dma_wait3A_630 = tpu.memref_slice %arg6[%dma_wait3A_619, %dma_wait3A_628, %dma_wait3A_629] : memref<10x64x128xf32, #tpu.memory_space<vmem>> -> memref<1x64x128xf32, #tpu.memory_space<vmem>>
        %dma_wait3A_631 = tpu.memref_squeeze %dma_wait3A_630 : memref<1x64x128xf32, #tpu.memory_space<vmem>> -> memref<64x128xf32, #tpu.memory_space<vmem>>
        tpu.wait_dma2 semaphore(%arg20 : memref<!tpu.dma_semaphore, #tpu.memory_space<semaphore_mem>>) src(%dma_wait3A_631 : memref<64x128xf32, #tpu.memory_space<vmem>>) dst(%dma_wait3A_627 : memref<64x128xf32, #tpu.memory_space<hbm>>)
        %add3A_632 = arith.constant 10 : i32
        %add3A_633 = arith.addi %add3A_365, %add3A_632 : i32
        %mul3A_634 = arith.constant 64 : i32
        %mul3A_635 = arith.muli %add3A_633, %mul3A_634 : i32
        %dma_start3A_636 = arith.constant 3 : i32
        %dma_start3A_637 = arith.constant 0 : i32
        %dma_start3A_638 = arith.constant 0 : i32
        %dma_start3A_639 = tpu.memref_slice %arg6[%dma_start3A_636, %dma_start3A_637, %dma_start3A_638] : memref<10x64x128xf32, #tpu.memory_space<vmem>> -> memref<1x64x128xf32, #tpu.memory_space<vmem>>
        %dma_start3A_640 = tpu.memref_squeeze %dma_start3A_639 : memref<1x64x128xf32, #tpu.memory_space<vmem>> -> memref<64x128xf32, #tpu.memory_space<vmem>>
        %dma_start3A_641 = tpu.memref_slice %arg5[%mul3A_635] : memref<6400xi32, #tpu.memory_space<vmem>> -> memref<64xi32, #tpu.memory_space<vmem>>
        %dma_start3A_642 = arith.constant 0 : i32
        %dma_start3A_643 = arith.constant 0 : i32
        %dma_start3A_644 = tpu.memref_slice %arg2[%dma_start3A_642, %dma_start3A_643] : memref<100000x128xf32, #tpu.memory_space<hbm>> -> memref<100000x128xf32, #tpu.memory_space<hbm>>
        tpu.enqueue_indirect_dma source(%dma_start3A_644 : memref<100000x128xf32, #tpu.memory_space<hbm>>) target(%dma_start3A_640 : memref<64x128xf32, #tpu.memory_space<vmem>>) offsets(%dma_start3A_641 : memref<64xi32, #tpu.memory_space<vmem>>) semaphore(%arg10 : memref<!tpu.dma_semaphore, #tpu.memory_space<semaphore_mem>>)
      } else {
      }
      %add3A_400 = arith.constant 4 : i32
      %add3A_401 = arith.addi %mul3A_258, %add3A_400 : i32
      %mul3A_402 = arith.constant 64 : i32
      %mul3A_403 = arith.muli %add3A_401, %mul3A_402 : i32
      %dma_wait3A_404 = arith.constant 4 : i32
      %dma_wait3A_405 = arith.constant 0 : i32
      %dma_wait3A_406 = arith.constant 0 : i32
      %dma_wait3A_407 = tpu.memref_slice %arg6[%dma_wait3A_404, %dma_wait3A_405, %dma_wait3A_406] : memref<10x64x128xf32, #tpu.memory_space<vmem>> -> memref<1x64x128xf32, #tpu.memory_space<vmem>>
      %dma_wait3A_408 = tpu.memref_squeeze %dma_wait3A_407 : memref<1x64x128xf32, #tpu.memory_space<vmem>> -> memref<64x128xf32, #tpu.memory_space<vmem>>
      %dma_wait3A_409 = tpu.memref_slice %arg5[%mul3A_403] : memref<6400xi32, #tpu.memory_space<vmem>> -> memref<64xi32, #tpu.memory_space<vmem>>
      %dma_wait3A_410 = arith.constant 0 : i32
      %dma_wait3A_411 = arith.constant 0 : i32
      %dma_wait3A_412 = tpu.memref_slice %arg2[%dma_wait3A_410, %dma_wait3A_411] : memref<100000x128xf32, #tpu.memory_space<hbm>> -> memref<100000x128xf32, #tpu.memory_space<hbm>>
      tpu.wait_indirect_dma semaphore(%arg11 : memref<!tpu.dma_semaphore, #tpu.memory_space<semaphore_mem>>) src(%dma_wait3A_412 : memref<100000x128xf32, #tpu.memory_space<hbm>>) dst(%dma_wait3A_408 : memref<64x128xf32, #tpu.memory_space<vmem>>)
      %mul3A_413 = arith.constant 64 : i32
      %mul3A_414 = arith.muli %add3A_401, %mul3A_413 : i32
      %add3A_415 = arith.addi %mul3A_2, %mul3A_414 : i32
      %dma_start3A_416 = arith.constant 4 : i32
      %dma_start3A_417 = arith.constant 0 : i32
      %dma_start3A_418 = arith.constant 0 : i32
      %dma_start3A_419 = tpu.memref_slice %arg6[%dma_start3A_416, %dma_start3A_417, %dma_start3A_418] : memref<10x64x128xf32, #tpu.memory_space<vmem>> -> memref<1x64x128xf32, #tpu.memory_space<vmem>>
      %dma_start3A_420 = tpu.memref_squeeze %dma_start3A_419 : memref<1x64x128xf32, #tpu.memory_space<vmem>> -> memref<64x128xf32, #tpu.memory_space<vmem>>
      %dma_start3A_421 = arith.constant 0 : i32
      %dma_start3A_422 = tpu.memref_slice %arg4[%add3A_415, %dma_start3A_421] : memref<204800x128xf32, #tpu.memory_space<hbm>> -> memref<64x128xf32, #tpu.memory_space<hbm>>
      %dma_start3A_423 = arith.constant 0 : i32
      %dma_start3A_424 = tpu.memref_slice %arg4[%add3A_415, %dma_start3A_423] : memref<204800x128xf32, #tpu.memory_space<hbm>> -> memref<64x128xf32, #tpu.memory_space<hbm>>
      %dma_start3A_425 = arith.constant 0 : i32
      %dma_start3A_426 = arith.constant 0 : i32
      %dma_start3A_427 = tpu.memref_slice %arg6[%dma_start3A_416, %dma_start3A_425, %dma_start3A_426] : memref<10x64x128xf32, #tpu.memory_space<vmem>> -> memref<1x64x128xf32, #tpu.memory_space<vmem>>
      %dma_start3A_428 = tpu.memref_squeeze %dma_start3A_427 : memref<1x64x128xf32, #tpu.memory_space<vmem>> -> memref<64x128xf32, #tpu.memory_space<vmem>>
      tpu.enqueue_dma source(%dma_start3A_428 : memref<64x128xf32, #tpu.memory_space<vmem>>) target(%dma_start3A_424 : memref<64x128xf32, #tpu.memory_space<hbm>>) target_semaphore(%arg21 : memref<!tpu.dma_semaphore, #tpu.memory_space<semaphore_mem>>)
      %add3A_429 = arith.constant 10 : i32
      %add3A_430 = arith.addi %add3A_401, %add3A_429 : i32
      %lt3A_431 = arith.constant 100 : i32
      %lt3A_432 = arith.cmpi slt, %add3A_430, %lt3A_431 : i32
      %convert_element_type3A_433 = arith.extui %lt3A_432 : i1 to i32
      %cond3A_434 = arith.constant 0 : i32
      %cond3A_435 = arith.cmpi ne, %convert_element_type3A_433, %cond3A_434 : i32
      scf.if %cond3A_435 {
        %mul3A_616 = arith.constant 64 : i32
        %mul3A_617 = arith.muli %add3A_401, %mul3A_616 : i32
        %add3A_618 = arith.addi %mul3A_2, %mul3A_617 : i32
        %dma_wait3A_619 = arith.constant 4 : i32
        %dma_wait3A_620 = arith.constant 0 : i32
        %dma_wait3A_621 = arith.constant 0 : i32
        %dma_wait3A_622 = tpu.memref_slice %arg6[%dma_wait3A_619, %dma_wait3A_620, %dma_wait3A_621] : memref<10x64x128xf32, #tpu.memory_space<vmem>> -> memref<1x64x128xf32, #tpu.memory_space<vmem>>
        %dma_wait3A_623 = tpu.memref_squeeze %dma_wait3A_622 : memref<1x64x128xf32, #tpu.memory_space<vmem>> -> memref<64x128xf32, #tpu.memory_space<vmem>>
        %dma_wait3A_624 = arith.constant 0 : i32
        %dma_wait3A_625 = tpu.memref_slice %arg4[%add3A_618, %dma_wait3A_624] : memref<204800x128xf32, #tpu.memory_space<hbm>> -> memref<64x128xf32, #tpu.memory_space<hbm>>
        %dma_wait3A_626 = arith.constant 0 : i32
        %dma_wait3A_627 = tpu.memref_slice %arg4[%add3A_618, %dma_wait3A_626] : memref<204800x128xf32, #tpu.memory_space<hbm>> -> memref<64x128xf32, #tpu.memory_space<hbm>>
        %dma_wait3A_628 = arith.constant 0 : i32
        %dma_wait3A_629 = arith.constant 0 : i32
        %dma_wait3A_630 = tpu.memref_slice %arg6[%dma_wait3A_619, %dma_wait3A_628, %dma_wait3A_629] : memref<10x64x128xf32, #tpu.memory_space<vmem>> -> memref<1x64x128xf32, #tpu.memory_space<vmem>>
        %dma_wait3A_631 = tpu.memref_squeeze %dma_wait3A_630 : memref<1x64x128xf32, #tpu.memory_space<vmem>> -> memref<64x128xf32, #tpu.memory_space<vmem>>
        tpu.wait_dma2 semaphore(%arg21 : memref<!tpu.dma_semaphore, #tpu.memory_space<semaphore_mem>>) src(%dma_wait3A_631 : memref<64x128xf32, #tpu.memory_space<vmem>>) dst(%dma_wait3A_627 : memref<64x128xf32, #tpu.memory_space<hbm>>)
        %add3A_632 = arith.constant 10 : i32
        %add3A_633 = arith.addi %add3A_401, %add3A_632 : i32
        %mul3A_634 = arith.constant 64 : i32
        %mul3A_635 = arith.muli %add3A_633, %mul3A_634 : i32
        %dma_start3A_636 = arith.constant 4 : i32
        %dma_start3A_637 = arith.constant 0 : i32
        %dma_start3A_638 = arith.constant 0 : i32
        %dma_start3A_639 = tpu.memref_slice %arg6[%dma_start3A_636, %dma_start3A_637, %dma_start3A_638] : memref<10x64x128xf32, #tpu.memory_space<vmem>> -> memref<1x64x128xf32, #tpu.memory_space<vmem>>
        %dma_start3A_640 = tpu.memref_squeeze %dma_start3A_639 : memref<1x64x128xf32, #tpu.memory_space<vmem>> -> memref<64x128xf32, #tpu.memory_space<vmem>>
        %dma_start3A_641 = tpu.memref_slice %arg5[%mul3A_635] : memref<6400xi32, #tpu.memory_space<vmem>> -> memref<64xi32, #tpu.memory_space<vmem>>
        %dma_start3A_642 = arith.constant 0 : i32
        %dma_start3A_643 = arith.constant 0 : i32
        %dma_start3A_644 = tpu.memref_slice %arg2[%dma_start3A_642, %dma_start3A_643] : memref<100000x128xf32, #tpu.memory_space<hbm>> -> memref<100000x128xf32, #tpu.memory_space<hbm>>
        tpu.enqueue_indirect_dma source(%dma_start3A_644 : memref<100000x128xf32, #tpu.memory_space<hbm>>) target(%dma_start3A_640 : memref<64x128xf32, #tpu.memory_space<vmem>>) offsets(%dma_start3A_641 : memref<64xi32, #tpu.memory_space<vmem>>) semaphore(%arg11 : memref<!tpu.dma_semaphore, #tpu.memory_space<semaphore_mem>>)
      } else {
      }
      %add3A_436 = arith.constant 5 : i32
      %add3A_437 = arith.addi %mul3A_258, %add3A_436 : i32
      %mul3A_438 = arith.constant 64 : i32
      %mul3A_439 = arith.muli %add3A_437, %mul3A_438 : i32
      %dma_wait3A_440 = arith.constant 5 : i32
      %dma_wait3A_441 = arith.constant 0 : i32
      %dma_wait3A_442 = arith.constant 0 : i32
      %dma_wait3A_443 = tpu.memref_slice %arg6[%dma_wait3A_440, %dma_wait3A_441, %dma_wait3A_442] : memref<10x64x128xf32, #tpu.memory_space<vmem>> -> memref<1x64x128xf32, #tpu.memory_space<vmem>>
      %dma_wait3A_444 = tpu.memref_squeeze %dma_wait3A_443 : memref<1x64x128xf32, #tpu.memory_space<vmem>> -> memref<64x128xf32, #tpu.memory_space<vmem>>
      %dma_wait3A_445 = tpu.memref_slice %arg5[%mul3A_439] : memref<6400xi32, #tpu.memory_space<vmem>> -> memref<64xi32, #tpu.memory_space<vmem>>
      %dma_wait3A_446 = arith.constant 0 : i32
      %dma_wait3A_447 = arith.constant 0 : i32
      %dma_wait3A_448 = tpu.memref_slice %arg2[%dma_wait3A_446, %dma_wait3A_447] : memref<100000x128xf32, #tpu.memory_space<hbm>> -> memref<100000x128xf32, #tpu.memory_space<hbm>>
      tpu.wait_indirect_dma semaphore(%arg12 : memref<!tpu.dma_semaphore, #tpu.memory_space<semaphore_mem>>) src(%dma_wait3A_448 : memref<100000x128xf32, #tpu.memory_space<hbm>>) dst(%dma_wait3A_444 : memref<64x128xf32, #tpu.memory_space<vmem>>)
      %mul3A_449 = arith.constant 64 : i32
      %mul3A_450 = arith.muli %add3A_437, %mul3A_449 : i32
      %add3A_451 = arith.addi %mul3A_2, %mul3A_450 : i32
      %dma_start3A_452 = arith.constant 5 : i32
      %dma_start3A_453 = arith.constant 0 : i32
      %dma_start3A_454 = arith.constant 0 : i32
      %dma_start3A_455 = tpu.memref_slice %arg6[%dma_start3A_452, %dma_start3A_453, %dma_start3A_454] : memref<10x64x128xf32, #tpu.memory_space<vmem>> -> memref<1x64x128xf32, #tpu.memory_space<vmem>>
      %dma_start3A_456 = tpu.memref_squeeze %dma_start3A_455 : memref<1x64x128xf32, #tpu.memory_space<vmem>> -> memref<64x128xf32, #tpu.memory_space<vmem>>
      %dma_start3A_457 = arith.constant 0 : i32
      %dma_start3A_458 = tpu.memref_slice %arg4[%add3A_451, %dma_start3A_457] : memref<204800x128xf32, #tpu.memory_space<hbm>> -> memref<64x128xf32, #tpu.memory_space<hbm>>
      %dma_start3A_459 = arith.constant 0 : i32
      %dma_start3A_460 = tpu.memref_slice %arg4[%add3A_451, %dma_start3A_459] : memref<204800x128xf32, #tpu.memory_space<hbm>> -> memref<64x128xf32, #tpu.memory_space<hbm>>
      %dma_start3A_461 = arith.constant 0 : i32
      %dma_start3A_462 = arith.constant 0 : i32
      %dma_start3A_463 = tpu.memref_slice %arg6[%dma_start3A_452, %dma_start3A_461, %dma_start3A_462] : memref<10x64x128xf32, #tpu.memory_space<vmem>> -> memref<1x64x128xf32, #tpu.memory_space<vmem>>
      %dma_start3A_464 = tpu.memref_squeeze %dma_start3A_463 : memref<1x64x128xf32, #tpu.memory_space<vmem>> -> memref<64x128xf32, #tpu.memory_space<vmem>>
      tpu.enqueue_dma source(%dma_start3A_464 : memref<64x128xf32, #tpu.memory_space<vmem>>) target(%dma_start3A_460 : memref<64x128xf32, #tpu.memory_space<hbm>>) target_semaphore(%arg22 : memref<!tpu.dma_semaphore, #tpu.memory_space<semaphore_mem>>)
      %add3A_465 = arith.constant 10 : i32
      %add3A_466 = arith.addi %add3A_437, %add3A_465 : i32
      %lt3A_467 = arith.constant 100 : i32
      %lt3A_468 = arith.cmpi slt, %add3A_466, %lt3A_467 : i32
      %convert_element_type3A_469 = arith.extui %lt3A_468 : i1 to i32
      %cond3A_470 = arith.constant 0 : i32
      %cond3A_471 = arith.cmpi ne, %convert_element_type3A_469, %cond3A_470 : i32
      scf.if %cond3A_471 {
        %mul3A_616 = arith.constant 64 : i32
        %mul3A_617 = arith.muli %add3A_437, %mul3A_616 : i32
        %add3A_618 = arith.addi %mul3A_2, %mul3A_617 : i32
        %dma_wait3A_619 = arith.constant 5 : i32
        %dma_wait3A_620 = arith.constant 0 : i32
        %dma_wait3A_621 = arith.constant 0 : i32
        %dma_wait3A_622 = tpu.memref_slice %arg6[%dma_wait3A_619, %dma_wait3A_620, %dma_wait3A_621] : memref<10x64x128xf32, #tpu.memory_space<vmem>> -> memref<1x64x128xf32, #tpu.memory_space<vmem>>
        %dma_wait3A_623 = tpu.memref_squeeze %dma_wait3A_622 : memref<1x64x128xf32, #tpu.memory_space<vmem>> -> memref<64x128xf32, #tpu.memory_space<vmem>>
        %dma_wait3A_624 = arith.constant 0 : i32
        %dma_wait3A_625 = tpu.memref_slice %arg4[%add3A_618, %dma_wait3A_624] : memref<204800x128xf32, #tpu.memory_space<hbm>> -> memref<64x128xf32, #tpu.memory_space<hbm>>
        %dma_wait3A_626 = arith.constant 0 : i32
        %dma_wait3A_627 = tpu.memref_slice %arg4[%add3A_618, %dma_wait3A_626] : memref<204800x128xf32, #tpu.memory_space<hbm>> -> memref<64x128xf32, #tpu.memory_space<hbm>>
        %dma_wait3A_628 = arith.constant 0 : i32
        %dma_wait3A_629 = arith.constant 0 : i32
        %dma_wait3A_630 = tpu.memref_slice %arg6[%dma_wait3A_619, %dma_wait3A_628, %dma_wait3A_629] : memref<10x64x128xf32, #tpu.memory_space<vmem>> -> memref<1x64x128xf32, #tpu.memory_space<vmem>>
        %dma_wait3A_631 = tpu.memref_squeeze %dma_wait3A_630 : memref<1x64x128xf32, #tpu.memory_space<vmem>> -> memref<64x128xf32, #tpu.memory_space<vmem>>
        tpu.wait_dma2 semaphore(%arg22 : memref<!tpu.dma_semaphore, #tpu.memory_space<semaphore_mem>>) src(%dma_wait3A_631 : memref<64x128xf32, #tpu.memory_space<vmem>>) dst(%dma_wait3A_627 : memref<64x128xf32, #tpu.memory_space<hbm>>)
        %add3A_632 = arith.constant 10 : i32
        %add3A_633 = arith.addi %add3A_437, %add3A_632 : i32
        %mul3A_634 = arith.constant 64 : i32
        %mul3A_635 = arith.muli %add3A_633, %mul3A_634 : i32
        %dma_start3A_636 = arith.constant 5 : i32
        %dma_start3A_637 = arith.constant 0 : i32
        %dma_start3A_638 = arith.constant 0 : i32
        %dma_start3A_639 = tpu.memref_slice %arg6[%dma_start3A_636, %dma_start3A_637, %dma_start3A_638] : memref<10x64x128xf32, #tpu.memory_space<vmem>> -> memref<1x64x128xf32, #tpu.memory_space<vmem>>
        %dma_start3A_640 = tpu.memref_squeeze %dma_start3A_639 : memref<1x64x128xf32, #tpu.memory_space<vmem>> -> memref<64x128xf32, #tpu.memory_space<vmem>>
        %dma_start3A_641 = tpu.memref_slice %arg5[%mul3A_635] : memref<6400xi32, #tpu.memory_space<vmem>> -> memref<64xi32, #tpu.memory_space<vmem>>
        %dma_start3A_642 = arith.constant 0 : i32
        %dma_start3A_643 = arith.constant 0 : i32
        %dma_start3A_644 = tpu.memref_slice %arg2[%dma_start3A_642, %dma_start3A_643] : memref<100000x128xf32, #tpu.memory_space<hbm>> -> memref<100000x128xf32, #tpu.memory_space<hbm>>
        tpu.enqueue_indirect_dma source(%dma_start3A_644 : memref<100000x128xf32, #tpu.memory_space<hbm>>) target(%dma_start3A_640 : memref<64x128xf32, #tpu.memory_space<vmem>>) offsets(%dma_start3A_641 : memref<64xi32, #tpu.memory_space<vmem>>) semaphore(%arg12 : memref<!tpu.dma_semaphore, #tpu.memory_space<semaphore_mem>>)
      } else {
      }
      %add3A_472 = arith.constant 6 : i32
      %add3A_473 = arith.addi %mul3A_258, %add3A_472 : i32
      %mul3A_474 = arith.constant 64 : i32
      %mul3A_475 = arith.muli %add3A_473, %mul3A_474 : i32
      %dma_wait3A_476 = arith.constant 6 : i32
      %dma_wait3A_477 = arith.constant 0 : i32
      %dma_wait3A_478 = arith.constant 0 : i32
      %dma_wait3A_479 = tpu.memref_slice %arg6[%dma_wait3A_476, %dma_wait3A_477, %dma_wait3A_478] : memref<10x64x128xf32, #tpu.memory_space<vmem>> -> memref<1x64x128xf32, #tpu.memory_space<vmem>>
      %dma_wait3A_480 = tpu.memref_squeeze %dma_wait3A_479 : memref<1x64x128xf32, #tpu.memory_space<vmem>> -> memref<64x128xf32, #tpu.memory_space<vmem>>
      %dma_wait3A_481 = tpu.memref_slice %arg5[%mul3A_475] : memref<6400xi32, #tpu.memory_space<vmem>> -> memref<64xi32, #tpu.memory_space<vmem>>
      %dma_wait3A_482 = arith.constant 0 : i32
      %dma_wait3A_483 = arith.constant 0 : i32
      %dma_wait3A_484 = tpu.memref_slice %arg2[%dma_wait3A_482, %dma_wait3A_483] : memref<100000x128xf32, #tpu.memory_space<hbm>> -> memref<100000x128xf32, #tpu.memory_space<hbm>>
      tpu.wait_indirect_dma semaphore(%arg13 : memref<!tpu.dma_semaphore, #tpu.memory_space<semaphore_mem>>) src(%dma_wait3A_484 : memref<100000x128xf32, #tpu.memory_space<hbm>>) dst(%dma_wait3A_480 : memref<64x128xf32, #tpu.memory_space<vmem>>)
      %mul3A_485 = arith.constant 64 : i32
      %mul3A_486 = arith.muli %add3A_473, %mul3A_485 : i32
      %add3A_487 = arith.addi %mul3A_2, %mul3A_486 : i32
      %dma_start3A_488 = arith.constant 6 : i32
      %dma_start3A_489 = arith.constant 0 : i32
      %dma_start3A_490 = arith.constant 0 : i32
      %dma_start3A_491 = tpu.memref_slice %arg6[%dma_start3A_488, %dma_start3A_489, %dma_start3A_490] : memref<10x64x128xf32, #tpu.memory_space<vmem>> -> memref<1x64x128xf32, #tpu.memory_space<vmem>>
      %dma_start3A_492 = tpu.memref_squeeze %dma_start3A_491 : memref<1x64x128xf32, #tpu.memory_space<vmem>> -> memref<64x128xf32, #tpu.memory_space<vmem>>
      %dma_start3A_493 = arith.constant 0 : i32
      %dma_start3A_494 = tpu.memref_slice %arg4[%add3A_487, %dma_start3A_493] : memref<204800x128xf32, #tpu.memory_space<hbm>> -> memref<64x128xf32, #tpu.memory_space<hbm>>
      %dma_start3A_495 = arith.constant 0 : i32
      %dma_start3A_496 = tpu.memref_slice %arg4[%add3A_487, %dma_start3A_495] : memref<204800x128xf32, #tpu.memory_space<hbm>> -> memref<64x128xf32, #tpu.memory_space<hbm>>
      %dma_start3A_497 = arith.constant 0 : i32
      %dma_start3A_498 = arith.constant 0 : i32
      %dma_start3A_499 = tpu.memref_slice %arg6[%dma_start3A_488, %dma_start3A_497, %dma_start3A_498] : memref<10x64x128xf32, #tpu.memory_space<vmem>> -> memref<1x64x128xf32, #tpu.memory_space<vmem>>
      %dma_start3A_500 = tpu.memref_squeeze %dma_start3A_499 : memref<1x64x128xf32, #tpu.memory_space<vmem>> -> memref<64x128xf32, #tpu.memory_space<vmem>>
      tpu.enqueue_dma source(%dma_start3A_500 : memref<64x128xf32, #tpu.memory_space<vmem>>) target(%dma_start3A_496 : memref<64x128xf32, #tpu.memory_space<hbm>>) target_semaphore(%arg23 : memref<!tpu.dma_semaphore, #tpu.memory_space<semaphore_mem>>)
      %add3A_501 = arith.constant 10 : i32
      %add3A_502 = arith.addi %add3A_473, %add3A_501 : i32
      %lt3A_503 = arith.constant 100 : i32
      %lt3A_504 = arith.cmpi slt, %add3A_502, %lt3A_503 : i32
      %convert_element_type3A_505 = arith.extui %lt3A_504 : i1 to i32
      %cond3A_506 = arith.constant 0 : i32
      %cond3A_507 = arith.cmpi ne, %convert_element_type3A_505, %cond3A_506 : i32
      scf.if %cond3A_507 {
        %mul3A_616 = arith.constant 64 : i32
        %mul3A_617 = arith.muli %add3A_473, %mul3A_616 : i32
        %add3A_618 = arith.addi %mul3A_2, %mul3A_617 : i32
        %dma_wait3A_619 = arith.constant 6 : i32
        %dma_wait3A_620 = arith.constant 0 : i32
        %dma_wait3A_621 = arith.constant 0 : i32
        %dma_wait3A_622 = tpu.memref_slice %arg6[%dma_wait3A_619, %dma_wait3A_620, %dma_wait3A_621] : memref<10x64x128xf32, #tpu.memory_space<vmem>> -> memref<1x64x128xf32, #tpu.memory_space<vmem>>
        %dma_wait3A_623 = tpu.memref_squeeze %dma_wait3A_622 : memref<1x64x128xf32, #tpu.memory_space<vmem>> -> memref<64x128xf32, #tpu.memory_space<vmem>>
        %dma_wait3A_624 = arith.constant 0 : i32
        %dma_wait3A_625 = tpu.memref_slice %arg4[%add3A_618, %dma_wait3A_624] : memref<204800x128xf32, #tpu.memory_space<hbm>> -> memref<64x128xf32, #tpu.memory_space<hbm>>
        %dma_wait3A_626 = arith.constant 0 : i32
        %dma_wait3A_627 = tpu.memref_slice %arg4[%add3A_618, %dma_wait3A_626] : memref<204800x128xf32, #tpu.memory_space<hbm>> -> memref<64x128xf32, #tpu.memory_space<hbm>>
        %dma_wait3A_628 = arith.constant 0 : i32
        %dma_wait3A_629 = arith.constant 0 : i32
        %dma_wait3A_630 = tpu.memref_slice %arg6[%dma_wait3A_619, %dma_wait3A_628, %dma_wait3A_629] : memref<10x64x128xf32, #tpu.memory_space<vmem>> -> memref<1x64x128xf32, #tpu.memory_space<vmem>>
        %dma_wait3A_631 = tpu.memref_squeeze %dma_wait3A_630 : memref<1x64x128xf32, #tpu.memory_space<vmem>> -> memref<64x128xf32, #tpu.memory_space<vmem>>
        tpu.wait_dma2 semaphore(%arg23 : memref<!tpu.dma_semaphore, #tpu.memory_space<semaphore_mem>>) src(%dma_wait3A_631 : memref<64x128xf32, #tpu.memory_space<vmem>>) dst(%dma_wait3A_627 : memref<64x128xf32, #tpu.memory_space<hbm>>)
        %add3A_632 = arith.constant 10 : i32
        %add3A_633 = arith.addi %add3A_473, %add3A_632 : i32
        %mul3A_634 = arith.constant 64 : i32
        %mul3A_635 = arith.muli %add3A_633, %mul3A_634 : i32
        %dma_start3A_636 = arith.constant 6 : i32
        %dma_start3A_637 = arith.constant 0 : i32
        %dma_start3A_638 = arith.constant 0 : i32
        %dma_start3A_639 = tpu.memref_slice %arg6[%dma_start3A_636, %dma_start3A_637, %dma_start3A_638] : memref<10x64x128xf32, #tpu.memory_space<vmem>> -> memref<1x64x128xf32, #tpu.memory_space<vmem>>
        %dma_start3A_640 = tpu.memref_squeeze %dma_start3A_639 : memref<1x64x128xf32, #tpu.memory_space<vmem>> -> memref<64x128xf32, #tpu.memory_space<vmem>>
        %dma_start3A_641 = tpu.memref_slice %arg5[%mul3A_635] : memref<6400xi32, #tpu.memory_space<vmem>> -> memref<64xi32, #tpu.memory_space<vmem>>
        %dma_start3A_642 = arith.constant 0 : i32
        %dma_start3A_643 = arith.constant 0 : i32
        %dma_start3A_644 = tpu.memref_slice %arg2[%dma_start3A_642, %dma_start3A_643] : memref<100000x128xf32, #tpu.memory_space<hbm>> -> memref<100000x128xf32, #tpu.memory_space<hbm>>
        tpu.enqueue_indirect_dma source(%dma_start3A_644 : memref<100000x128xf32, #tpu.memory_space<hbm>>) target(%dma_start3A_640 : memref<64x128xf32, #tpu.memory_space<vmem>>) offsets(%dma_start3A_641 : memref<64xi32, #tpu.memory_space<vmem>>) semaphore(%arg13 : memref<!tpu.dma_semaphore, #tpu.memory_space<semaphore_mem>>)
      } else {
      }
      %add3A_508 = arith.constant 7 : i32
      %add3A_509 = arith.addi %mul3A_258, %add3A_508 : i32
      %mul3A_510 = arith.constant 64 : i32
      %mul3A_511 = arith.muli %add3A_509, %mul3A_510 : i32
      %dma_wait3A_512 = arith.constant 7 : i32
      %dma_wait3A_513 = arith.constant 0 : i32
      %dma_wait3A_514 = arith.constant 0 : i32
      %dma_wait3A_515 = tpu.memref_slice %arg6[%dma_wait3A_512, %dma_wait3A_513, %dma_wait3A_514] : memref<10x64x128xf32, #tpu.memory_space<vmem>> -> memref<1x64x128xf32, #tpu.memory_space<vmem>>
      %dma_wait3A_516 = tpu.memref_squeeze %dma_wait3A_515 : memref<1x64x128xf32, #tpu.memory_space<vmem>> -> memref<64x128xf32, #tpu.memory_space<vmem>>
      %dma_wait3A_517 = tpu.memref_slice %arg5[%mul3A_511] : memref<6400xi32, #tpu.memory_space<vmem>> -> memref<64xi32, #tpu.memory_space<vmem>>
      %dma_wait3A_518 = arith.constant 0 : i32
      %dma_wait3A_519 = arith.constant 0 : i32
      %dma_wait3A_520 = tpu.memref_slice %arg2[%dma_wait3A_518, %dma_wait3A_519] : memref<100000x128xf32, #tpu.memory_space<hbm>> -> memref<100000x128xf32, #tpu.memory_space<hbm>>
      tpu.wait_indirect_dma semaphore(%arg14 : memref<!tpu.dma_semaphore, #tpu.memory_space<semaphore_mem>>) src(%dma_wait3A_520 : memref<100000x128xf32, #tpu.memory_space<hbm>>) dst(%dma_wait3A_516 : memref<64x128xf32, #tpu.memory_space<vmem>>)
      %mul3A_521 = arith.constant 64 : i32
      %mul3A_522 = arith.muli %add3A_509, %mul3A_521 : i32
      %add3A_523 = arith.addi %mul3A_2, %mul3A_522 : i32
      %dma_start3A_524 = arith.constant 7 : i32
      %dma_start3A_525 = arith.constant 0 : i32
      %dma_start3A_526 = arith.constant 0 : i32
      %dma_start3A_527 = tpu.memref_slice %arg6[%dma_start3A_524, %dma_start3A_525, %dma_start3A_526] : memref<10x64x128xf32, #tpu.memory_space<vmem>> -> memref<1x64x128xf32, #tpu.memory_space<vmem>>
      %dma_start3A_528 = tpu.memref_squeeze %dma_start3A_527 : memref<1x64x128xf32, #tpu.memory_space<vmem>> -> memref<64x128xf32, #tpu.memory_space<vmem>>
      %dma_start3A_529 = arith.constant 0 : i32
      %dma_start3A_530 = tpu.memref_slice %arg4[%add3A_523, %dma_start3A_529] : memref<204800x128xf32, #tpu.memory_space<hbm>> -> memref<64x128xf32, #tpu.memory_space<hbm>>
      %dma_start3A_531 = arith.constant 0 : i32
      %dma_start3A_532 = tpu.memref_slice %arg4[%add3A_523, %dma_start3A_531] : memref<204800x128xf32, #tpu.memory_space<hbm>> -> memref<64x128xf32, #tpu.memory_space<hbm>>
      %dma_start3A_533 = arith.constant 0 : i32
      %dma_start3A_534 = arith.constant 0 : i32
      %dma_start3A_535 = tpu.memref_slice %arg6[%dma_start3A_524, %dma_start3A_533, %dma_start3A_534] : memref<10x64x128xf32, #tpu.memory_space<vmem>> -> memref<1x64x128xf32, #tpu.memory_space<vmem>>
      %dma_start3A_536 = tpu.memref_squeeze %dma_start3A_535 : memref<1x64x128xf32, #tpu.memory_space<vmem>> -> memref<64x128xf32, #tpu.memory_space<vmem>>
      tpu.enqueue_dma source(%dma_start3A_536 : memref<64x128xf32, #tpu.memory_space<vmem>>) target(%dma_start3A_532 : memref<64x128xf32, #tpu.memory_space<hbm>>) target_semaphore(%arg24 : memref<!tpu.dma_semaphore, #tpu.memory_space<semaphore_mem>>)
      %add3A_537 = arith.constant 10 : i32
      %add3A_538 = arith.addi %add3A_509, %add3A_537 : i32
      %lt3A_539 = arith.constant 100 : i32
      %lt3A_540 = arith.cmpi slt, %add3A_538, %lt3A_539 : i32
      %convert_element_type3A_541 = arith.extui %lt3A_540 : i1 to i32
      %cond3A_542 = arith.constant 0 : i32
      %cond3A_543 = arith.cmpi ne, %convert_element_type3A_541, %cond3A_542 : i32
      scf.if %cond3A_543 {
        %mul3A_616 = arith.constant 64 : i32
        %mul3A_617 = arith.muli %add3A_509, %mul3A_616 : i32
        %add3A_618 = arith.addi %mul3A_2, %mul3A_617 : i32
        %dma_wait3A_619 = arith.constant 7 : i32
        %dma_wait3A_620 = arith.constant 0 : i32
        %dma_wait3A_621 = arith.constant 0 : i32
        %dma_wait3A_622 = tpu.memref_slice %arg6[%dma_wait3A_619, %dma_wait3A_620, %dma_wait3A_621] : memref<10x64x128xf32, #tpu.memory_space<vmem>> -> memref<1x64x128xf32, #tpu.memory_space<vmem>>
        %dma_wait3A_623 = tpu.memref_squeeze %dma_wait3A_622 : memref<1x64x128xf32, #tpu.memory_space<vmem>> -> memref<64x128xf32, #tpu.memory_space<vmem>>
        %dma_wait3A_624 = arith.constant 0 : i32
        %dma_wait3A_625 = tpu.memref_slice %arg4[%add3A_618, %dma_wait3A_624] : memref<204800x128xf32, #tpu.memory_space<hbm>> -> memref<64x128xf32, #tpu.memory_space<hbm>>
        %dma_wait3A_626 = arith.constant 0 : i32
        %dma_wait3A_627 = tpu.memref_slice %arg4[%add3A_618, %dma_wait3A_626] : memref<204800x128xf32, #tpu.memory_space<hbm>> -> memref<64x128xf32, #tpu.memory_space<hbm>>
        %dma_wait3A_628 = arith.constant 0 : i32
        %dma_wait3A_629 = arith.constant 0 : i32
        %dma_wait3A_630 = tpu.memref_slice %arg6[%dma_wait3A_619, %dma_wait3A_628, %dma_wait3A_629] : memref<10x64x128xf32, #tpu.memory_space<vmem>> -> memref<1x64x128xf32, #tpu.memory_space<vmem>>
        %dma_wait3A_631 = tpu.memref_squeeze %dma_wait3A_630 : memref<1x64x128xf32, #tpu.memory_space<vmem>> -> memref<64x128xf32, #tpu.memory_space<vmem>>
        tpu.wait_dma2 semaphore(%arg24 : memref<!tpu.dma_semaphore, #tpu.memory_space<semaphore_mem>>) src(%dma_wait3A_631 : memref<64x128xf32, #tpu.memory_space<vmem>>) dst(%dma_wait3A_627 : memref<64x128xf32, #tpu.memory_space<hbm>>)
        %add3A_632 = arith.constant 10 : i32
        %add3A_633 = arith.addi %add3A_509, %add3A_632 : i32
        %mul3A_634 = arith.constant 64 : i32
        %mul3A_635 = arith.muli %add3A_633, %mul3A_634 : i32
        %dma_start3A_636 = arith.constant 7 : i32
        %dma_start3A_637 = arith.constant 0 : i32
        %dma_start3A_638 = arith.constant 0 : i32
        %dma_start3A_639 = tpu.memref_slice %arg6[%dma_start3A_636, %dma_start3A_637, %dma_start3A_638] : memref<10x64x128xf32, #tpu.memory_space<vmem>> -> memref<1x64x128xf32, #tpu.memory_space<vmem>>
        %dma_start3A_640 = tpu.memref_squeeze %dma_start3A_639 : memref<1x64x128xf32, #tpu.memory_space<vmem>> -> memref<64x128xf32, #tpu.memory_space<vmem>>
        %dma_start3A_641 = tpu.memref_slice %arg5[%mul3A_635] : memref<6400xi32, #tpu.memory_space<vmem>> -> memref<64xi32, #tpu.memory_space<vmem>>
        %dma_start3A_642 = arith.constant 0 : i32
        %dma_start3A_643 = arith.constant 0 : i32
        %dma_start3A_644 = tpu.memref_slice %arg2[%dma_start3A_642, %dma_start3A_643] : memref<100000x128xf32, #tpu.memory_space<hbm>> -> memref<100000x128xf32, #tpu.memory_space<hbm>>
        tpu.enqueue_indirect_dma source(%dma_start3A_644 : memref<100000x128xf32, #tpu.memory_space<hbm>>) target(%dma_start3A_640 : memref<64x128xf32, #tpu.memory_space<vmem>>) offsets(%dma_start3A_641 : memref<64xi32, #tpu.memory_space<vmem>>) semaphore(%arg14 : memref<!tpu.dma_semaphore, #tpu.memory_space<semaphore_mem>>)
      } else {
      }
      %add3A_544 = arith.constant 8 : i32
      %add3A_545 = arith.addi %mul3A_258, %add3A_544 : i32
      %mul3A_546 = arith.constant 64 : i32
      %mul3A_547 = arith.muli %add3A_545, %mul3A_546 : i32
      %dma_wait3A_548 = arith.constant 8 : i32
      %dma_wait3A_549 = arith.constant 0 : i32
      %dma_wait3A_550 = arith.constant 0 : i32
      %dma_wait3A_551 = tpu.memref_slice %arg6[%dma_wait3A_548, %dma_wait3A_549, %dma_wait3A_550] : memref<10x64x128xf32, #tpu.memory_space<vmem>> -> memref<1x64x128xf32, #tpu.memory_space<vmem>>
      %dma_wait3A_552 = tpu.memref_squeeze %dma_wait3A_551 : memref<1x64x128xf32, #tpu.memory_space<vmem>> -> memref<64x128xf32, #tpu.memory_space<vmem>>
      %dma_wait3A_553 = tpu.memref_slice %arg5[%mul3A_547] : memref<6400xi32, #tpu.memory_space<vmem>> -> memref<64xi32, #tpu.memory_space<vmem>>
      %dma_wait3A_554 = arith.constant 0 : i32
      %dma_wait3A_555 = arith.constant 0 : i32
      %dma_wait3A_556 = tpu.memref_slice %arg2[%dma_wait3A_554, %dma_wait3A_555] : memref<100000x128xf32, #tpu.memory_space<hbm>> -> memref<100000x128xf32, #tpu.memory_space<hbm>>
      tpu.wait_indirect_dma semaphore(%arg15 : memref<!tpu.dma_semaphore, #tpu.memory_space<semaphore_mem>>) src(%dma_wait3A_556 : memref<100000x128xf32, #tpu.memory_space<hbm>>) dst(%dma_wait3A_552 : memref<64x128xf32, #tpu.memory_space<vmem>>)
      %mul3A_557 = arith.constant 64 : i32
      %mul3A_558 = arith.muli %add3A_545, %mul3A_557 : i32
      %add3A_559 = arith.addi %mul3A_2, %mul3A_558 : i32
      %dma_start3A_560 = arith.constant 8 : i32
      %dma_start3A_561 = arith.constant 0 : i32
      %dma_start3A_562 = arith.constant 0 : i32
      %dma_start3A_563 = tpu.memref_slice %arg6[%dma_start3A_560, %dma_start3A_561, %dma_start3A_562] : memref<10x64x128xf32, #tpu.memory_space<vmem>> -> memref<1x64x128xf32, #tpu.memory_space<vmem>>
      %dma_start3A_564 = tpu.memref_squeeze %dma_start3A_563 : memref<1x64x128xf32, #tpu.memory_space<vmem>> -> memref<64x128xf32, #tpu.memory_space<vmem>>
      %dma_start3A_565 = arith.constant 0 : i32
      %dma_start3A_566 = tpu.memref_slice %arg4[%add3A_559, %dma_start3A_565] : memref<204800x128xf32, #tpu.memory_space<hbm>> -> memref<64x128xf32, #tpu.memory_space<hbm>>
      %dma_start3A_567 = arith.constant 0 : i32
      %dma_start3A_568 = tpu.memref_slice %arg4[%add3A_559, %dma_start3A_567] : memref<204800x128xf32, #tpu.memory_space<hbm>> -> memref<64x128xf32, #tpu.memory_space<hbm>>
      %dma_start3A_569 = arith.constant 0 : i32
      %dma_start3A_570 = arith.constant 0 : i32
      %dma_start3A_571 = tpu.memref_slice %arg6[%dma_start3A_560, %dma_start3A_569, %dma_start3A_570] : memref<10x64x128xf32, #tpu.memory_space<vmem>> -> memref<1x64x128xf32, #tpu.memory_space<vmem>>
      %dma_start3A_572 = tpu.memref_squeeze %dma_start3A_571 : memref<1x64x128xf32, #tpu.memory_space<vmem>> -> memref<64x128xf32, #tpu.memory_space<vmem>>
      tpu.enqueue_dma source(%dma_start3A_572 : memref<64x128xf32, #tpu.memory_space<vmem>>) target(%dma_start3A_568 : memref<64x128xf32, #tpu.memory_space<hbm>>) target_semaphore(%arg25 : memref<!tpu.dma_semaphore, #tpu.memory_space<semaphore_mem>>)
      %add3A_573 = arith.constant 10 : i32
      %add3A_574 = arith.addi %add3A_545, %add3A_573 : i32
      %lt3A_575 = arith.constant 100 : i32
      %lt3A_576 = arith.cmpi slt, %add3A_574, %lt3A_575 : i32
      %convert_element_type3A_577 = arith.extui %lt3A_576 : i1 to i32
      %cond3A_578 = arith.constant 0 : i32
      %cond3A_579 = arith.cmpi ne, %convert_element_type3A_577, %cond3A_578 : i32
      scf.if %cond3A_579 {
        %mul3A_616 = arith.constant 64 : i32
        %mul3A_617 = arith.muli %add3A_545, %mul3A_616 : i32
        %add3A_618 = arith.addi %mul3A_2, %mul3A_617 : i32
        %dma_wait3A_619 = arith.constant 8 : i32
        %dma_wait3A_620 = arith.constant 0 : i32
        %dma_wait3A_621 = arith.constant 0 : i32
        %dma_wait3A_622 = tpu.memref_slice %arg6[%dma_wait3A_619, %dma_wait3A_620, %dma_wait3A_621] : memref<10x64x128xf32, #tpu.memory_space<vmem>> -> memref<1x64x128xf32, #tpu.memory_space<vmem>>
        %dma_wait3A_623 = tpu.memref_squeeze %dma_wait3A_622 : memref<1x64x128xf32, #tpu.memory_space<vmem>> -> memref<64x128xf32, #tpu.memory_space<vmem>>
        %dma_wait3A_624 = arith.constant 0 : i32
        %dma_wait3A_625 = tpu.memref_slice %arg4[%add3A_618, %dma_wait3A_624] : memref<204800x128xf32, #tpu.memory_space<hbm>> -> memref<64x128xf32, #tpu.memory_space<hbm>>
        %dma_wait3A_626 = arith.constant 0 : i32
        %dma_wait3A_627 = tpu.memref_slice %arg4[%add3A_618, %dma_wait3A_626] : memref<204800x128xf32, #tpu.memory_space<hbm>> -> memref<64x128xf32, #tpu.memory_space<hbm>>
        %dma_wait3A_628 = arith.constant 0 : i32
        %dma_wait3A_629 = arith.constant 0 : i32
        %dma_wait3A_630 = tpu.memref_slice %arg6[%dma_wait3A_619, %dma_wait3A_628, %dma_wait3A_629] : memref<10x64x128xf32, #tpu.memory_space<vmem>> -> memref<1x64x128xf32, #tpu.memory_space<vmem>>
        %dma_wait3A_631 = tpu.memref_squeeze %dma_wait3A_630 : memref<1x64x128xf32, #tpu.memory_space<vmem>> -> memref<64x128xf32, #tpu.memory_space<vmem>>
        tpu.wait_dma2 semaphore(%arg25 : memref<!tpu.dma_semaphore, #tpu.memory_space<semaphore_mem>>) src(%dma_wait3A_631 : memref<64x128xf32, #tpu.memory_space<vmem>>) dst(%dma_wait3A_627 : memref<64x128xf32, #tpu.memory_space<hbm>>)
        %add3A_632 = arith.constant 10 : i32
        %add3A_633 = arith.addi %add3A_545, %add3A_632 : i32
        %mul3A_634 = arith.constant 64 : i32
        %mul3A_635 = arith.muli %add3A_633, %mul3A_634 : i32
        %dma_start3A_636 = arith.constant 8 : i32
        %dma_start3A_637 = arith.constant 0 : i32
        %dma_start3A_638 = arith.constant 0 : i32
        %dma_start3A_639 = tpu.memref_slice %arg6[%dma_start3A_636, %dma_start3A_637, %dma_start3A_638] : memref<10x64x128xf32, #tpu.memory_space<vmem>> -> memref<1x64x128xf32, #tpu.memory_space<vmem>>
        %dma_start3A_640 = tpu.memref_squeeze %dma_start3A_639 : memref<1x64x128xf32, #tpu.memory_space<vmem>> -> memref<64x128xf32, #tpu.memory_space<vmem>>
        %dma_start3A_641 = tpu.memref_slice %arg5[%mul3A_635] : memref<6400xi32, #tpu.memory_space<vmem>> -> memref<64xi32, #tpu.memory_space<vmem>>
        %dma_start3A_642 = arith.constant 0 : i32
        %dma_start3A_643 = arith.constant 0 : i32
        %dma_start3A_644 = tpu.memref_slice %arg2[%dma_start3A_642, %dma_start3A_643] : memref<100000x128xf32, #tpu.memory_space<hbm>> -> memref<100000x128xf32, #tpu.memory_space<hbm>>
        tpu.enqueue_indirect_dma source(%dma_start3A_644 : memref<100000x128xf32, #tpu.memory_space<hbm>>) target(%dma_start3A_640 : memref<64x128xf32, #tpu.memory_space<vmem>>) offsets(%dma_start3A_641 : memref<64xi32, #tpu.memory_space<vmem>>) semaphore(%arg15 : memref<!tpu.dma_semaphore, #tpu.memory_space<semaphore_mem>>)
      } else {
      }
      %add3A_580 = arith.constant 9 : i32
      %add3A_581 = arith.addi %mul3A_258, %add3A_580 : i32
      %mul3A_582 = arith.constant 64 : i32
      %mul3A_583 = arith.muli %add3A_581, %mul3A_582 : i32
      %dma_wait3A_584 = arith.constant 9 : i32
      %dma_wait3A_585 = arith.constant 0 : i32
      %dma_wait3A_586 = arith.constant 0 : i32
      %dma_wait3A_587 = tpu.memref_slice %arg6[%dma_wait3A_584, %dma_wait3A_585, %dma_wait3A_586] : memref<10x64x128xf32, #tpu.memory_space<vmem>> -> memref<1x64x128xf32, #tpu.memory_space<vmem>>
      %dma_wait3A_588 = tpu.memref_squeeze %dma_wait3A_587 : memref<1x64x128xf32, #tpu.memory_space<vmem>> -> memref<64x128xf32, #tpu.memory_space<vmem>>
      %dma_wait3A_589 = tpu.memref_slice %arg5[%mul3A_583] : memref<6400xi32, #tpu.memory_space<vmem>> -> memref<64xi32, #tpu.memory_space<vmem>>
      %dma_wait3A_590 = arith.constant 0 : i32
      %dma_wait3A_591 = arith.constant 0 : i32
      %dma_wait3A_592 = tpu.memref_slice %arg2[%dma_wait3A_590, %dma_wait3A_591] : memref<100000x128xf32, #tpu.memory_space<hbm>> -> memref<100000x128xf32, #tpu.memory_space<hbm>>
      tpu.wait_indirect_dma semaphore(%arg16 : memref<!tpu.dma_semaphore, #tpu.memory_space<semaphore_mem>>) src(%dma_wait3A_592 : memref<100000x128xf32, #tpu.memory_space<hbm>>) dst(%dma_wait3A_588 : memref<64x128xf32, #tpu.memory_space<vmem>>)
      %mul3A_593 = arith.constant 64 : i32
      %mul3A_594 = arith.muli %add3A_581, %mul3A_593 : i32
      %add3A_595 = arith.addi %mul3A_2, %mul3A_594 : i32
      %dma_start3A_596 = arith.constant 9 : i32
      %dma_start3A_597 = arith.constant 0 : i32
      %dma_start3A_598 = arith.constant 0 : i32
      %dma_start3A_599 = tpu.memref_slice %arg6[%dma_start3A_596, %dma_start3A_597, %dma_start3A_598] : memref<10x64x128xf32, #tpu.memory_space<vmem>> -> memref<1x64x128xf32, #tpu.memory_space<vmem>>
      %dma_start3A_600 = tpu.memref_squeeze %dma_start3A_599 : memref<1x64x128xf32, #tpu.memory_space<vmem>> -> memref<64x128xf32, #tpu.memory_space<vmem>>
      %dma_start3A_601 = arith.constant 0 : i32
      %dma_start3A_602 = tpu.memref_slice %arg4[%add3A_595, %dma_start3A_601] : memref<204800x128xf32, #tpu.memory_space<hbm>> -> memref<64x128xf32, #tpu.memory_space<hbm>>
      %dma_start3A_603 = arith.constant 0 : i32
      %dma_start3A_604 = tpu.memref_slice %arg4[%add3A_595, %dma_start3A_603] : memref<204800x128xf32, #tpu.memory_space<hbm>> -> memref<64x128xf32, #tpu.memory_space<hbm>>
      %dma_start3A_605 = arith.constant 0 : i32
      %dma_start3A_606 = arith.constant 0 : i32
      %dma_start3A_607 = tpu.memref_slice %arg6[%dma_start3A_596, %dma_start3A_605, %dma_start3A_606] : memref<10x64x128xf32, #tpu.memory_space<vmem>> -> memref<1x64x128xf32, #tpu.memory_space<vmem>>
      %dma_start3A_608 = tpu.memref_squeeze %dma_start3A_607 : memref<1x64x128xf32, #tpu.memory_space<vmem>> -> memref<64x128xf32, #tpu.memory_space<vmem>>
      tpu.enqueue_dma source(%dma_start3A_608 : memref<64x128xf32, #tpu.memory_space<vmem>>) target(%dma_start3A_604 : memref<64x128xf32, #tpu.memory_space<hbm>>) target_semaphore(%arg26 : memref<!tpu.dma_semaphore, #tpu.memory_space<semaphore_mem>>)
      %add3A_609 = arith.constant 10 : i32
      %add3A_610 = arith.addi %add3A_581, %add3A_609 : i32
      %lt3A_611 = arith.constant 100 : i32
      %lt3A_612 = arith.cmpi slt, %add3A_610, %lt3A_611 : i32
      %convert_element_type3A_613 = arith.extui %lt3A_612 : i1 to i32
      %cond3A_614 = arith.constant 0 : i32
      %cond3A_615 = arith.cmpi ne, %convert_element_type3A_613, %cond3A_614 : i32
      scf.if %cond3A_615 {
        %mul3A_616 = arith.constant 64 : i32
        %mul3A_617 = arith.muli %add3A_581, %mul3A_616 : i32
        %add3A_618 = arith.addi %mul3A_2, %mul3A_617 : i32
        %dma_wait3A_619 = arith.constant 9 : i32
        %dma_wait3A_620 = arith.constant 0 : i32
        %dma_wait3A_621 = arith.constant 0 : i32
        %dma_wait3A_622 = tpu.memref_slice %arg6[%dma_wait3A_619, %dma_wait3A_620, %dma_wait3A_621] : memref<10x64x128xf32, #tpu.memory_space<vmem>> -> memref<1x64x128xf32, #tpu.memory_space<vmem>>
        %dma_wait3A_623 = tpu.memref_squeeze %dma_wait3A_622 : memref<1x64x128xf32, #tpu.memory_space<vmem>> -> memref<64x128xf32, #tpu.memory_space<vmem>>
        %dma_wait3A_624 = arith.constant 0 : i32
        %dma_wait3A_625 = tpu.memref_slice %arg4[%add3A_618, %dma_wait3A_624] : memref<204800x128xf32, #tpu.memory_space<hbm>> -> memref<64x128xf32, #tpu.memory_space<hbm>>
        %dma_wait3A_626 = arith.constant 0 : i32
        %dma_wait3A_627 = tpu.memref_slice %arg4[%add3A_618, %dma_wait3A_626] : memref<204800x128xf32, #tpu.memory_space<hbm>> -> memref<64x128xf32, #tpu.memory_space<hbm>>
        %dma_wait3A_628 = arith.constant 0 : i32
        %dma_wait3A_629 = arith.constant 0 : i32
        %dma_wait3A_630 = tpu.memref_slice %arg6[%dma_wait3A_619, %dma_wait3A_628, %dma_wait3A_629] : memref<10x64x128xf32, #tpu.memory_space<vmem>> -> memref<1x64x128xf32, #tpu.memory_space<vmem>>
        %dma_wait3A_631 = tpu.memref_squeeze %dma_wait3A_630 : memref<1x64x128xf32, #tpu.memory_space<vmem>> -> memref<64x128xf32, #tpu.memory_space<vmem>>
        tpu.wait_dma2 semaphore(%arg26 : memref<!tpu.dma_semaphore, #tpu.memory_space<semaphore_mem>>) src(%dma_wait3A_631 : memref<64x128xf32, #tpu.memory_space<vmem>>) dst(%dma_wait3A_627 : memref<64x128xf32, #tpu.memory_space<hbm>>)
        %add3A_632 = arith.constant 10 : i32
        %add3A_633 = arith.addi %add3A_581, %add3A_632 : i32
        %mul3A_634 = arith.constant 64 : i32
        %mul3A_635 = arith.muli %add3A_633, %mul3A_634 : i32
        %dma_start3A_636 = arith.constant 9 : i32
        %dma_start3A_637 = arith.constant 0 : i32
        %dma_start3A_638 = arith.constant 0 : i32
        %dma_start3A_639 = tpu.memref_slice %arg6[%dma_start3A_636, %dma_start3A_637, %dma_start3A_638] : memref<10x64x128xf32, #tpu.memory_space<vmem>> -> memref<1x64x128xf32, #tpu.memory_space<vmem>>
        %dma_start3A_640 = tpu.memref_squeeze %dma_start3A_639 : memref<1x64x128xf32, #tpu.memory_space<vmem>> -> memref<64x128xf32, #tpu.memory_space<vmem>>
        %dma_start3A_641 = tpu.memref_slice %arg5[%mul3A_635] : memref<6400xi32, #tpu.memory_space<vmem>> -> memref<64xi32, #tpu.memory_space<vmem>>
        %dma_start3A_642 = arith.constant 0 : i32
        %dma_start3A_643 = arith.constant 0 : i32
        %dma_start3A_644 = tpu.memref_slice %arg2[%dma_start3A_642, %dma_start3A_643] : memref<100000x128xf32, #tpu.memory_space<hbm>> -> memref<100000x128xf32, #tpu.memory_space<hbm>>
        tpu.enqueue_indirect_dma source(%dma_start3A_644 : memref<100000x128xf32, #tpu.memory_space<hbm>>) target(%dma_start3A_640 : memref<64x128xf32, #tpu.memory_space<vmem>>) offsets(%dma_start3A_641 : memref<64xi32, #tpu.memory_space<vmem>>) semaphore(%arg16 : memref<!tpu.dma_semaphore, #tpu.memory_space<semaphore_mem>>)
      } else {
      }
    }
    %scan3A_106 = arith.constant 10 : i32
    %add3A_107 = arith.constant 5760 : i32
    %add3A_108 = arith.addi %mul3A_2, %add3A_107 : i32
    %dma_wait3A = arith.constant 0 : i32
    %dma_wait3A_109 = arith.constant 0 : i32
    %dma_wait3A_110 = arith.constant 0 : i32
    %dma_wait3A_111 = tpu.memref_slice %arg6[%dma_wait3A, %dma_wait3A_109, %dma_wait3A_110] : memref<10x64x128xf32, #tpu.memory_space<vmem>> -> memref<1x64x128xf32, #tpu.memory_space<vmem>>
    %dma_wait3A_112 = tpu.memref_squeeze %dma_wait3A_111 : memref<1x64x128xf32, #tpu.memory_space<vmem>> -> memref<64x128xf32, #tpu.memory_space<vmem>>
    %dma_wait3A_113 = arith.constant 0 : i32
    %dma_wait3A_114 = tpu.memref_slice %arg4[%add3A_108, %dma_wait3A_113] : memref<204800x128xf32, #tpu.memory_space<hbm>> -> memref<64x128xf32, #tpu.memory_space<hbm>>
    %dma_wait3A_115 = arith.constant 0 : i32
    %dma_wait3A_116 = tpu.memref_slice %arg4[%add3A_108, %dma_wait3A_115] : memref<204800x128xf32, #tpu.memory_space<hbm>> -> memref<64x128xf32, #tpu.memory_space<hbm>>
    %dma_wait3A_117 = arith.constant 0 : i32
    %dma_wait3A_118 = arith.constant 0 : i32
    %dma_wait3A_119 = tpu.memref_slice %arg6[%dma_wait3A, %dma_wait3A_117, %dma_wait3A_118] : memref<10x64x128xf32, #tpu.memory_space<vmem>> -> memref<1x64x128xf32, #tpu.memory_space<vmem>>
    %dma_wait3A_120 = tpu.memref_squeeze %dma_wait3A_119 : memref<1x64x128xf32, #tpu.memory_space<vmem>> -> memref<64x128xf32, #tpu.memory_space<vmem>>
    tpu.wait_dma2 semaphore(%arg17 : memref<!tpu.dma_semaphore, #tpu.memory_space<semaphore_mem>>) src(%dma_wait3A_120 : memref<64x128xf32, #tpu.memory_space<vmem>>) dst(%dma_wait3A_116 : memref<64x128xf32, #tpu.memory_space<hbm>>)
    %add3A_121 = arith.constant 5824 : i32
    %add3A_122 = arith.addi %mul3A_2, %add3A_121 : i32
    %dma_wait3A_123 = arith.constant 1 : i32
    %dma_wait3A_124 = arith.constant 0 : i32
    %dma_wait3A_125 = arith.constant 0 : i32
    %dma_wait3A_126 = tpu.memref_slice %arg6[%dma_wait3A_123, %dma_wait3A_124, %dma_wait3A_125] : memref<10x64x128xf32, #tpu.memory_space<vmem>> -> memref<1x64x128xf32, #tpu.memory_space<vmem>>
    %dma_wait3A_127 = tpu.memref_squeeze %dma_wait3A_126 : memref<1x64x128xf32, #tpu.memory_space<vmem>> -> memref<64x128xf32, #tpu.memory_space<vmem>>
    %dma_wait3A_128 = arith.constant 0 : i32
    %dma_wait3A_129 = tpu.memref_slice %arg4[%add3A_122, %dma_wait3A_128] : memref<204800x128xf32, #tpu.memory_space<hbm>> -> memref<64x128xf32, #tpu.memory_space<hbm>>
    %dma_wait3A_130 = arith.constant 0 : i32
    %dma_wait3A_131 = tpu.memref_slice %arg4[%add3A_122, %dma_wait3A_130] : memref<204800x128xf32, #tpu.memory_space<hbm>> -> memref<64x128xf32, #tpu.memory_space<hbm>>
    %dma_wait3A_132 = arith.constant 0 : i32
    %dma_wait3A_133 = arith.constant 0 : i32
    %dma_wait3A_134 = tpu.memref_slice %arg6[%dma_wait3A_123, %dma_wait3A_132, %dma_wait3A_133] : memref<10x64x128xf32, #tpu.memory_space<vmem>> -> memref<1x64x128xf32, #tpu.memory_space<vmem>>
    %dma_wait3A_135 = tpu.memref_squeeze %dma_wait3A_134 : memref<1x64x128xf32, #tpu.memory_space<vmem>> -> memref<64x128xf32, #tpu.memory_space<vmem>>
    tpu.wait_dma2 semaphore(%arg18 : memref<!tpu.dma_semaphore, #tpu.memory_space<semaphore_mem>>) src(%dma_wait3A_135 : memref<64x128xf32, #tpu.memory_space<vmem>>) dst(%dma_wait3A_131 : memref<64x128xf32, #tpu.memory_space<hbm>>)
    %add3A_136 = arith.constant 5888 : i32
    %add3A_137 = arith.addi %mul3A_2, %add3A_136 : i32
    %dma_wait3A_138 = arith.constant 2 : i32
    %dma_wait3A_139 = arith.constant 0 : i32
    %dma_wait3A_140 = arith.constant 0 : i32
    %dma_wait3A_141 = tpu.memref_slice %arg6[%dma_wait3A_138, %dma_wait3A_139, %dma_wait3A_140] : memref<10x64x128xf32, #tpu.memory_space<vmem>> -> memref<1x64x128xf32, #tpu.memory_space<vmem>>
    %dma_wait3A_142 = tpu.memref_squeeze %dma_wait3A_141 : memref<1x64x128xf32, #tpu.memory_space<vmem>> -> memref<64x128xf32, #tpu.memory_space<vmem>>
    %dma_wait3A_143 = arith.constant 0 : i32
    %dma_wait3A_144 = tpu.memref_slice %arg4[%add3A_137, %dma_wait3A_143] : memref<204800x128xf32, #tpu.memory_space<hbm>> -> memref<64x128xf32, #tpu.memory_space<hbm>>
    %dma_wait3A_145 = arith.constant 0 : i32
    %dma_wait3A_146 = tpu.memref_slice %arg4[%add3A_137, %dma_wait3A_145] : memref<204800x128xf32, #tpu.memory_space<hbm>> -> memref<64x128xf32, #tpu.memory_space<hbm>>
    %dma_wait3A_147 = arith.constant 0 : i32
    %dma_wait3A_148 = arith.constant 0 : i32
    %dma_wait3A_149 = tpu.memref_slice %arg6[%dma_wait3A_138, %dma_wait3A_147, %dma_wait3A_148] : memref<10x64x128xf32, #tpu.memory_space<vmem>> -> memref<1x64x128xf32, #tpu.memory_space<vmem>>
    %dma_wait3A_150 = tpu.memref_squeeze %dma_wait3A_149 : memref<1x64x128xf32, #tpu.memory_space<vmem>> -> memref<64x128xf32, #tpu.memory_space<vmem>>
    tpu.wait_dma2 semaphore(%arg19 : memref<!tpu.dma_semaphore, #tpu.memory_space<semaphore_mem>>) src(%dma_wait3A_150 : memref<64x128xf32, #tpu.memory_space<vmem>>) dst(%dma_wait3A_146 : memref<64x128xf32, #tpu.memory_space<hbm>>)
    %add3A_151 = arith.constant 5952 : i32
    %add3A_152 = arith.addi %mul3A_2, %add3A_151 : i32
    %dma_wait3A_153 = arith.constant 3 : i32
    %dma_wait3A_154 = arith.constant 0 : i32
    %dma_wait3A_155 = arith.constant 0 : i32
    %dma_wait3A_156 = tpu.memref_slice %arg6[%dma_wait3A_153, %dma_wait3A_154, %dma_wait3A_155] : memref<10x64x128xf32, #tpu.memory_space<vmem>> -> memref<1x64x128xf32, #tpu.memory_space<vmem>>
    %dma_wait3A_157 = tpu.memref_squeeze %dma_wait3A_156 : memref<1x64x128xf32, #tpu.memory_space<vmem>> -> memref<64x128xf32, #tpu.memory_space<vmem>>
    %dma_wait3A_158 = arith.constant 0 : i32
    %dma_wait3A_159 = tpu.memref_slice %arg4[%add3A_152, %dma_wait3A_158] : memref<204800x128xf32, #tpu.memory_space<hbm>> -> memref<64x128xf32, #tpu.memory_space<hbm>>
    %dma_wait3A_160 = arith.constant 0 : i32
    %dma_wait3A_161 = tpu.memref_slice %arg4[%add3A_152, %dma_wait3A_160] : memref<204800x128xf32, #tpu.memory_space<hbm>> -> memref<64x128xf32, #tpu.memory_space<hbm>>
    %dma_wait3A_162 = arith.constant 0 : i32
    %dma_wait3A_163 = arith.constant 0 : i32
    %dma_wait3A_164 = tpu.memref_slice %arg6[%dma_wait3A_153, %dma_wait3A_162, %dma_wait3A_163] : memref<10x64x128xf32, #tpu.memory_space<vmem>> -> memref<1x64x128xf32, #tpu.memory_space<vmem>>
    %dma_wait3A_165 = tpu.memref_squeeze %dma_wait3A_164 : memref<1x64x128xf32, #tpu.memory_space<vmem>> -> memref<64x128xf32, #tpu.memory_space<vmem>>
    tpu.wait_dma2 semaphore(%arg20 : memref<!tpu.dma_semaphore, #tpu.memory_space<semaphore_mem>>) src(%dma_wait3A_165 : memref<64x128xf32, #tpu.memory_space<vmem>>) dst(%dma_wait3A_161 : memref<64x128xf32, #tpu.memory_space<hbm>>)
    %add3A_166 = arith.constant 6016 : i32
    %add3A_167 = arith.addi %mul3A_2, %add3A_166 : i32
    %dma_wait3A_168 = arith.constant 4 : i32
    %dma_wait3A_169 = arith.constant 0 : i32
    %dma_wait3A_170 = arith.constant 0 : i32
    %dma_wait3A_171 = tpu.memref_slice %arg6[%dma_wait3A_168, %dma_wait3A_169, %dma_wait3A_170] : memref<10x64x128xf32, #tpu.memory_space<vmem>> -> memref<1x64x128xf32, #tpu.memory_space<vmem>>
    %dma_wait3A_172 = tpu.memref_squeeze %dma_wait3A_171 : memref<1x64x128xf32, #tpu.memory_space<vmem>> -> memref<64x128xf32, #tpu.memory_space<vmem>>
    %dma_wait3A_173 = arith.constant 0 : i32
    %dma_wait3A_174 = tpu.memref_slice %arg4[%add3A_167, %dma_wait3A_173] : memref<204800x128xf32, #tpu.memory_space<hbm>> -> memref<64x128xf32, #tpu.memory_space<hbm>>
    %dma_wait3A_175 = arith.constant 0 : i32
    %dma_wait3A_176 = tpu.memref_slice %arg4[%add3A_167, %dma_wait3A_175] : memref<204800x128xf32, #tpu.memory_space<hbm>> -> memref<64x128xf32, #tpu.memory_space<hbm>>
    %dma_wait3A_177 = arith.constant 0 : i32
    %dma_wait3A_178 = arith.constant 0 : i32
    %dma_wait3A_179 = tpu.memref_slice %arg6[%dma_wait3A_168, %dma_wait3A_177, %dma_wait3A_178] : memref<10x64x128xf32, #tpu.memory_space<vmem>> -> memref<1x64x128xf32, #tpu.memory_space<vmem>>
    %dma_wait3A_180 = tpu.memref_squeeze %dma_wait3A_179 : memref<1x64x128xf32, #tpu.memory_space<vmem>> -> memref<64x128xf32, #tpu.memory_space<vmem>>
    tpu.wait_dma2 semaphore(%arg21 : memref<!tpu.dma_semaphore, #tpu.memory_space<semaphore_mem>>) src(%dma_wait3A_180 : memref<64x128xf32, #tpu.memory_space<vmem>>) dst(%dma_wait3A_176 : memref<64x128xf32, #tpu.memory_space<hbm>>)
    %add3A_181 = arith.constant 6080 : i32
    %add3A_182 = arith.addi %mul3A_2, %add3A_181 : i32
    %dma_wait3A_183 = arith.constant 5 : i32
    %dma_wait3A_184 = arith.constant 0 : i32
    %dma_wait3A_185 = arith.constant 0 : i32
    %dma_wait3A_186 = tpu.memref_slice %arg6[%dma_wait3A_183, %dma_wait3A_184, %dma_wait3A_185] : memref<10x64x128xf32, #tpu.memory_space<vmem>> -> memref<1x64x128xf32, #tpu.memory_space<vmem>>
    %dma_wait3A_187 = tpu.memref_squeeze %dma_wait3A_186 : memref<1x64x128xf32, #tpu.memory_space<vmem>> -> memref<64x128xf32, #tpu.memory_space<vmem>>
    %dma_wait3A_188 = arith.constant 0 : i32
    %dma_wait3A_189 = tpu.memref_slice %arg4[%add3A_182, %dma_wait3A_188] : memref<204800x128xf32, #tpu.memory_space<hbm>> -> memref<64x128xf32, #tpu.memory_space<hbm>>
    %dma_wait3A_190 = arith.constant 0 : i32
    %dma_wait3A_191 = tpu.memref_slice %arg4[%add3A_182, %dma_wait3A_190] : memref<204800x128xf32, #tpu.memory_space<hbm>> -> memref<64x128xf32, #tpu.memory_space<hbm>>
    %dma_wait3A_192 = arith.constant 0 : i32
    %dma_wait3A_193 = arith.constant 0 : i32
    %dma_wait3A_194 = tpu.memref_slice %arg6[%dma_wait3A_183, %dma_wait3A_192, %dma_wait3A_193] : memref<10x64x128xf32, #tpu.memory_space<vmem>> -> memref<1x64x128xf32, #tpu.memory_space<vmem>>
    %dma_wait3A_195 = tpu.memref_squeeze %dma_wait3A_194 : memref<1x64x128xf32, #tpu.memory_space<vmem>> -> memref<64x128xf32, #tpu.memory_space<vmem>>
    tpu.wait_dma2 semaphore(%arg22 : memref<!tpu.dma_semaphore, #tpu.memory_space<semaphore_mem>>) src(%dma_wait3A_195 : memref<64x128xf32, #tpu.memory_space<vmem>>) dst(%dma_wait3A_191 : memref<64x128xf32, #tpu.memory_space<hbm>>)
    %add3A_196 = arith.constant 6144 : i32
    %add3A_197 = arith.addi %mul3A_2, %add3A_196 : i32
    %dma_wait3A_198 = arith.constant 6 : i32
    %dma_wait3A_199 = arith.constant 0 : i32
    %dma_wait3A_200 = arith.constant 0 : i32
    %dma_wait3A_201 = tpu.memref_slice %arg6[%dma_wait3A_198, %dma_wait3A_199, %dma_wait3A_200] : memref<10x64x128xf32, #tpu.memory_space<vmem>> -> memref<1x64x128xf32, #tpu.memory_space<vmem>>
    %dma_wait3A_202 = tpu.memref_squeeze %dma_wait3A_201 : memref<1x64x128xf32, #tpu.memory_space<vmem>> -> memref<64x128xf32, #tpu.memory_space<vmem>>
    %dma_wait3A_203 = arith.constant 0 : i32
    %dma_wait3A_204 = tpu.memref_slice %arg4[%add3A_197, %dma_wait3A_203] : memref<204800x128xf32, #tpu.memory_space<hbm>> -> memref<64x128xf32, #tpu.memory_space<hbm>>
    %dma_wait3A_205 = arith.constant 0 : i32
    %dma_wait3A_206 = tpu.memref_slice %arg4[%add3A_197, %dma_wait3A_205] : memref<204800x128xf32, #tpu.memory_space<hbm>> -> memref<64x128xf32, #tpu.memory_space<hbm>>
    %dma_wait3A_207 = arith.constant 0 : i32
    %dma_wait3A_208 = arith.constant 0 : i32
    %dma_wait3A_209 = tpu.memref_slice %arg6[%dma_wait3A_198, %dma_wait3A_207, %dma_wait3A_208] : memref<10x64x128xf32, #tpu.memory_space<vmem>> -> memref<1x64x128xf32, #tpu.memory_space<vmem>>
    %dma_wait3A_210 = tpu.memref_squeeze %dma_wait3A_209 : memref<1x64x128xf32, #tpu.memory_space<vmem>> -> memref<64x128xf32, #tpu.memory_space<vmem>>
    tpu.wait_dma2 semaphore(%arg23 : memref<!tpu.dma_semaphore, #tpu.memory_space<semaphore_mem>>) src(%dma_wait3A_210 : memref<64x128xf32, #tpu.memory_space<vmem>>) dst(%dma_wait3A_206 : memref<64x128xf32, #tpu.memory_space<hbm>>)
    %add3A_211 = arith.constant 6208 : i32
    %add3A_212 = arith.addi %mul3A_2, %add3A_211 : i32
    %dma_wait3A_213 = arith.constant 7 : i32
    %dma_wait3A_214 = arith.constant 0 : i32
    %dma_wait3A_215 = arith.constant 0 : i32
    %dma_wait3A_216 = tpu.memref_slice %arg6[%dma_wait3A_213, %dma_wait3A_214, %dma_wait3A_215] : memref<10x64x128xf32, #tpu.memory_space<vmem>> -> memref<1x64x128xf32, #tpu.memory_space<vmem>>
    %dma_wait3A_217 = tpu.memref_squeeze %dma_wait3A_216 : memref<1x64x128xf32, #tpu.memory_space<vmem>> -> memref<64x128xf32, #tpu.memory_space<vmem>>
    %dma_wait3A_218 = arith.constant 0 : i32
    %dma_wait3A_219 = tpu.memref_slice %arg4[%add3A_212, %dma_wait3A_218] : memref<204800x128xf32, #tpu.memory_space<hbm>> -> memref<64x128xf32, #tpu.memory_space<hbm>>
    %dma_wait3A_220 = arith.constant 0 : i32
    %dma_wait3A_221 = tpu.memref_slice %arg4[%add3A_212, %dma_wait3A_220] : memref<204800x128xf32, #tpu.memory_space<hbm>> -> memref<64x128xf32, #tpu.memory_space<hbm>>
    %dma_wait3A_222 = arith.constant 0 : i32
    %dma_wait3A_223 = arith.constant 0 : i32
    %dma_wait3A_224 = tpu.memref_slice %arg6[%dma_wait3A_213, %dma_wait3A_222, %dma_wait3A_223] : memref<10x64x128xf32, #tpu.memory_space<vmem>> -> memref<1x64x128xf32, #tpu.memory_space<vmem>>
    %dma_wait3A_225 = tpu.memref_squeeze %dma_wait3A_224 : memref<1x64x128xf32, #tpu.memory_space<vmem>> -> memref<64x128xf32, #tpu.memory_space<vmem>>
    tpu.wait_dma2 semaphore(%arg24 : memref<!tpu.dma_semaphore, #tpu.memory_space<semaphore_mem>>) src(%dma_wait3A_225 : memref<64x128xf32, #tpu.memory_space<vmem>>) dst(%dma_wait3A_221 : memref<64x128xf32, #tpu.memory_space<hbm>>)
    %add3A_226 = arith.constant 6272 : i32
    %add3A_227 = arith.addi %mul3A_2, %add3A_226 : i32
    %dma_wait3A_228 = arith.constant 8 : i32
    %dma_wait3A_229 = arith.constant 0 : i32
    %dma_wait3A_230 = arith.constant 0 : i32
    %dma_wait3A_231 = tpu.memref_slice %arg6[%dma_wait3A_228, %dma_wait3A_229, %dma_wait3A_230] : memref<10x64x128xf32, #tpu.memory_space<vmem>> -> memref<1x64x128xf32, #tpu.memory_space<vmem>>
    %dma_wait3A_232 = tpu.memref_squeeze %dma_wait3A_231 : memref<1x64x128xf32, #tpu.memory_space<vmem>> -> memref<64x128xf32, #tpu.memory_space<vmem>>
    %dma_wait3A_233 = arith.constant 0 : i32
    %dma_wait3A_234 = tpu.memref_slice %arg4[%add3A_227, %dma_wait3A_233] : memref<204800x128xf32, #tpu.memory_space<hbm>> -> memref<64x128xf32, #tpu.memory_space<hbm>>
    %dma_wait3A_235 = arith.constant 0 : i32
    %dma_wait3A_236 = tpu.memref_slice %arg4[%add3A_227, %dma_wait3A_235] : memref<204800x128xf32, #tpu.memory_space<hbm>> -> memref<64x128xf32, #tpu.memory_space<hbm>>
    %dma_wait3A_237 = arith.constant 0 : i32
    %dma_wait3A_238 = arith.constant 0 : i32
    %dma_wait3A_239 = tpu.memref_slice %arg6[%dma_wait3A_228, %dma_wait3A_237, %dma_wait3A_238] : memref<10x64x128xf32, #tpu.memory_space<vmem>> -> memref<1x64x128xf32, #tpu.memory_space<vmem>>
    %dma_wait3A_240 = tpu.memref_squeeze %dma_wait3A_239 : memref<1x64x128xf32, #tpu.memory_space<vmem>> -> memref<64x128xf32, #tpu.memory_space<vmem>>
    tpu.wait_dma2 semaphore(%arg25 : memref<!tpu.dma_semaphore, #tpu.memory_space<semaphore_mem>>) src(%dma_wait3A_240 : memref<64x128xf32, #tpu.memory_space<vmem>>) dst(%dma_wait3A_236 : memref<64x128xf32, #tpu.memory_space<hbm>>)
    %add3A_241 = arith.constant 6336 : i32
    %add3A_242 = arith.addi %mul3A_2, %add3A_241 : i32
    %dma_wait3A_243 = arith.constant 9 : i32
    %dma_wait3A_244 = arith.constant 0 : i32
    %dma_wait3A_245 = arith.constant 0 : i32
    %dma_wait3A_246 = tpu.memref_slice %arg6[%dma_wait3A_243, %dma_wait3A_244, %dma_wait3A_245] : memref<10x64x128xf32, #tpu.memory_space<vmem>> -> memref<1x64x128xf32, #tpu.memory_space<vmem>>
    %dma_wait3A_247 = tpu.memref_squeeze %dma_wait3A_246 : memref<1x64x128xf32, #tpu.memory_space<vmem>> -> memref<64x128xf32, #tpu.memory_space<vmem>>
    %dma_wait3A_248 = arith.constant 0 : i32
    %dma_wait3A_249 = tpu.memref_slice %arg4[%add3A_242, %dma_wait3A_248] : memref<204800x128xf32, #tpu.memory_space<hbm>> -> memref<64x128xf32, #tpu.memory_space<hbm>>
    %dma_wait3A_250 = arith.constant 0 : i32
    %dma_wait3A_251 = tpu.memref_slice %arg4[%add3A_242, %dma_wait3A_250] : memref<204800x128xf32, #tpu.memory_space<hbm>> -> memref<64x128xf32, #tpu.memory_space<hbm>>
    %dma_wait3A_252 = arith.constant 0 : i32
    %dma_wait3A_253 = arith.constant 0 : i32
    %dma_wait3A_254 = tpu.memref_slice %arg6[%dma_wait3A_243, %dma_wait3A_252, %dma_wait3A_253] : memref<10x64x128xf32, #tpu.memory_space<vmem>> -> memref<1x64x128xf32, #tpu.memory_space<vmem>>
    %dma_wait3A_255 = tpu.memref_squeeze %dma_wait3A_254 : memref<1x64x128xf32, #tpu.memory_space<vmem>> -> memref<64x128xf32, #tpu.memory_space<vmem>>
    tpu.wait_dma2 semaphore(%arg26 : memref<!tpu.dma_semaphore, #tpu.memory_space<semaphore_mem>>) src(%dma_wait3A_255 : memref<64x128xf32, #tpu.memory_space<vmem>>) dst(%dma_wait3A_251 : memref<64x128xf32, #tpu.memory_space<hbm>>)
    return
  }
}

module attributes {stable_mosaic.version = 14 : i64} {
  func.func @body(%arg0: i32, %arg1: memref<10000x128xf32, #tpu.memory_space<vmem>>, %arg2: memref<16x8x1250xf32, #tpu.memory_space<vmem>>, %arg3: memref<16x128xf32, #tpu.memory_space<vmem>>, %arg4: memref<10000x128xf32, #tpu.memory_space<vmem>>) attributes {dimension_semantics = [#tpu.dimension_semantics<arbitrary>], iteration_bounds = array<i64: 10>, scalar_prefetch = 0 : i64, scratch_operands = 0 : i64, tpu.core_type = #tpu.core_type<tc>, window_params = [{transform_indices = @transform_0, window_bounds = array<i64: 10000, 128>}, {transform_indices = @transform_1, window_bounds = array<i64: 16, 8, 1250>}, {pipeline_mode = #tpu.pipeline_mode<synchronous>, transform_indices = @transform_2, window_bounds = array<i64: 16, 128>}, {transform_indices = @transform_3, window_bounds = array<i64: 10000, 128>}]} {
    %get3A = arith.constant 0 : index
    %get3A_0 = arith.constant 0 : index
    %get3A_1 = arith.constant 0 : index
    %get3A_2 = vector.load %arg2[%get3A, %get3A_0, %get3A_1] : memref<16x8x1250xf32, #tpu.memory_space<vmem>>, vector<16x8x1250xf32>
    %reshape3A = vector.shape_cast %get3A_2 : vector<16x8x1250xf32> to vector<16x10000xf32>
    %get3A_3 = arith.constant 0 : index
    %get3A_4 = arith.constant 0 : index
    %get3A_5 = vector.load %arg3[%get3A_3, %get3A_4] : memref<16x128xf32, #tpu.memory_space<vmem>>, vector<16x128xf32>
    %dot_general3A = arith.constant dense<0.000000e+00> : vector<10000x128xf32>
    %dot_general3A_6 = tpu.matmul %reshape3A, %get3A_5, %dot_general3A {dimension_numbers = #tpu.dot_dimension_numbers<[0], [0], [1], [1], [0, 1, 1, 1], [], []>, transpose_lhs_hint = false} : vector<16x10000xf32>, vector<16x128xf32>, vector<10000x128xf32> -> vector<10000x128xf32>
    %get3A_7 = arith.constant 0 : index
    %get3A_8 = arith.constant 0 : index
    %get3A_9 = vector.load %arg1[%get3A_7, %get3A_8] : memref<10000x128xf32, #tpu.memory_space<vmem>>, vector<10000x128xf32>
    %mul3A = arith.constant 5.000000e-01 : f32
    %mul3A_10 = vector.broadcast %mul3A : f32 to vector<10000x128xf32>
    %mul3A_11 = arith.mulf %dot_general3A_6, %mul3A_10 : vector<10000x128xf32>
    %add3A = arith.addf %get3A_9, %mul3A_11 : vector<10000x128xf32>
    %swap3A = arith.constant 0 : index
    %swap3A_12 = arith.constant 0 : index
    %swap3A_13 = vector.load %arg4[%swap3A, %swap3A_12] : memref<10000x128xf32, #tpu.memory_space<vmem>>, vector<10000x128xf32>
    tpu.vector_store %arg4[%swap3A, %swap3A_12], %add3A {strides = array<i32>} : memref<10000x128xf32, #tpu.memory_space<vmem>>, vector<10000x128xf32>,
    return
  }
  func.func @transform_0(%arg0: i32) -> (i32, i32) {
    %c0_i32 = arith.constant 0 : i32
    %c0_i32_0 = arith.constant 0 : i32
    return %arg0, %c0_i32 : i32, i32
  }
  func.func @transform_1(%arg0: i32) -> (i32, i32, i32) {
    %c0_i32 = arith.constant 0 : i32
    %c0_i32_0 = arith.constant 0 : i32
    %c0_i32_1 = arith.constant 0 : i32
    return %c0_i32, %arg0, %c0_i32_0 : i32, i32, i32
  }
  func.func @transform_2(%arg0: i32) -> (i32, i32) {
    %c0_i32 = arith.constant 0 : i32
    %c0_i32_0 = arith.constant 0 : i32
    %c0_i32_1 = arith.constant 0 : i32
    return %c0_i32, %c0_i32_0 : i32, i32
  }
  func.func @transform_3(%arg0: i32) -> (i32, i32) {
    %c0_i32 = arith.constant 0 : i32
    %c0_i32_0 = arith.constant 0 : i32
    return %arg0, %c0_i32 : i32, i32
  }
}

</mosaic_0001>

<sc_bundles>
// kernel: kernel.4.cloned.1.call-start
scs
__scs_entry_jumppad:
0x0: {  	(pc) =	sbr.rel $0x88, $3  }
0x1: {  	(tag) =	ssettag $0x0;
	lr =	simm.s32 $0x1  }
0x2: {  	[smem:$0x3F9D] =	sst lr;
	_ =	strace $0xD0000000  }
0x3: {  	_ = 	snop  }
0x4: {  	_ = 	snop  }
0x5: {  	_ = 	snop  }
0x6: {  	_ = 	snop  }
0x7: {  	_ = 	snop  }
__scs_overlays_trampoline_lowered:
0x8: {  	[smem:$0x3FAC] =	sst s0  }
0x9: {  	[smem:$0x3FAD] =	sst s1  }
0xa: {  	[smem:$0x3FAE] =	sst s2  }
0xb: {  	[smem:$0x3FAF] =	sst s3  }
0xc: {  	[smem:$0x3FB0] =	sst s4  }
0xd: {  	[smem:$0x3FB1] =	sst s5  }
0xe: {  	[smem:$0x3FB2] =	sst s6  }
0xf: {  	[smem:$0x3FB3] =	sst s7  }
0x10: {  	[smem:$0x3FB4] =	sst s8  }
0x11: {  	[smem:$0x3FB5] =	sst s9;
	s0 =	simm.s32 @!p0 $0x0  }
0x12: {  	s1 =	sld [smem:$0x3F9B];
	s0 =	simm.s32 @p0 $0x1  }
0x13: {  	[smem:$0x3FB6] =	sst s0;
	s0 =	simm.s32 @!p1 $0x0  }
0x14: {  	s2 =	sld [smem:$0x3F9A];
	s0 =	simm.s32 @p1 $0x1  }
0x15: {  	[smem:$0x3FB7] =	sst s0;
	s0 =	simm.s32 @!p2 $0x0  }
0x16: {  	s3 =	sld [smem:$0x3FDB];
	s0 =	simm.s32 @p2 $0x1  }
0x17: {  	s4 =	simm.s32 $0x1BF5;
	[smem:$0x3FB9] =	sst s0  }
0x18: {  	s0 =	sld [smem:$0x3F9C];
	_ =	swait.ge [sflag:s4], $0x0  }
0x19: {  	s7 =	sld [smem:$0x3F9D]  }
0x1a: {  	s8 =	sadd.s32 $0xFFFFE003, lr  }
0x1b: {  	s9 =	sadd.s32 $0xFFFFFEF7, lr;
	s5 =	simm.s32 $0xFFFFFFFF;
	p2 =	slt.u32 s8, $0xFFFFF086  }
0x1c: {  	p1 =	slt.u32 s9, $0xF7A;
	s5 =	simm.s32 @!p2 $0x0  }
0x1d: {  	s5 =	simm.s32 @p1 $0x1;
	p0 =	seq.s32 s7, s2  }
0x1e: {  	s7 =	smul.u32 @!p0 $0xF7A, s2;
	p2 =	seq.s32 @!p0 s5, $0x0  }
0x1f: {  	s9 =	smul.u32 $0xF7A, s1;
	s8 =	simm.s32 @!p0 $0x1BF5;
	p2 =	por !p2, p0  }
0x20: {  	[sflag:s8] =	ssyncset.s32 @!p0 $0xFFFFF086;
	s6 =	sadd.s32 @!p0 s3, s7;
	s7 =	simm.s32 @!p0 $0x108  }
0x21: {  	s3 =	sadd.s32 s3, s9;
	s6 =	sadd.s32 @!p0 $0x88, s6;
	s7 =	simm.s32 @p2 $0x1082  }
0x22: {  	[simem:s7], [sflag:s8] =	dma.local @!p0 [hbm:s6], $0xF7A  }
0x23: {  	s9 =	sor.u32 $0xD0000000, s2;
	s6 =	simm.s32 $0x108;
	_ =	swait.ge @!p0 [sflag:s8], $0x0  }
0x24: {  	s3 =	sadd.s32 $0x88, s3;
	s6 =	simm.s32 @!p1 $0x1082;
	[sflag:s4] =	ssyncset.s32 $0xFFFFF086  }
0x25: {  	[simem:s6], [sflag:s4] =	dma.local [hbm:s3], $0xF7A  }
0x26: {  	[smem:$0x3F9D] =	sst s1;
	(tag) =	ssettag s2;
	_ =	strace s9  }
0x27: {  	s1 =	sld [smem:$0x3FAD]  }
0x28: {  	s2 =	sld [smem:$0x3FAE]  }
0x29: {  	s4 =	sld [smem:$0x3FB0]  }
0x2a: {  	p0 =	seq.s32 s5, $0x0;
	s5 =	sld [smem:$0x3FB1]  }
0x2b: {  	s6 =	sld [smem:$0x3FB2]  }
0x2c: {  	s7 =	sld [smem:$0x3FB3]  }
0x2d: {  	s3 =	simm.s32 $0x108;
	s8 =	sld [smem:$0x3FB4]  }
0x2e: {  	s3 =	simm.s32 @!p0 $0x1082;
	s9 =	sld [smem:$0x3FB5]  }
0x2f: {  	lr =	sadd.s32 s0, s3;
	s0 =	sld [smem:$0x3FAC]  }
0x30: {  	s3 =	sld [smem:$0x3FAF]  }
0x31: {  	[smem:$0x3FB8] =	sst s10  }
0x32: {  	s10 =	sld [smem:$0x3FB6];
	_ =	sdelay $0x3  }
0x33: {  	p0 =	seq.s32 s10, $0x1;
	s10 =	sld [smem:$0x3FB8];
	_ =	sdelay $0x3  }
0x34: {  	[smem:$0x3FB8] =	sst s10  }
0x35: {  	s10 =	sld [smem:$0x3FB7];
	_ =	sdelay $0x3  }
0x36: {  	p1 =	seq.s32 s10, $0x1;
	s10 =	sld [smem:$0x3FB8];
	_ =	sdelay $0x3  }
0x37: {  	[smem:$0x3FB8] =	sst s10  }
0x38: {  	s10 =	sld [smem:$0x3FB9]  }
0x39: {  	_ = 	snop;
	(pc) =	sbr.ind lr, $3  }
0x3a: {  	_ = 	snop  }
0x3b: {  	_ = 	snop  }
0x3c: {  	p2 =	seq.s32 s10, $0x1;
	s10 =	sld [smem:$0x3FB8]  }
0x3d: {  	_ =	shalt  }
0x3e: {  	_ =	shalt  }
0x3f: {  	_ =	shalt  }
0x40: {  	_ =	shalt  }
0x41: {  	_ =	shalt  }
0x42: {  	_ =	shalt  }
0x43: {  	_ =	shalt  }
0x44: {  	_ =	shalt  }
0x45: {  	_ =	shalt  }
0x46: {  	_ =	shalt  }
0x47: {  	_ =	shalt  }
0x48: {  	_ =	shalt  }
0x49: {  	_ =	shalt  }
0x4a: {  	_ =	shalt  }
0x4b: {  	_ =	shalt  }
0x4c: {  	_ =	shalt  }
0x4d: {  	_ =	shalt  }
0x4e: {  	_ =	shalt  }
0x4f: {  	_ =	shalt  }
0x50: {  	_ =	shalt  }
0x51: {  	_ =	shalt  }
0x52: {  	_ =	shalt  }
0x53: {  	_ =	shalt  }
0x54: {  	_ =	shalt  }
0x55: {  	_ =	shalt  }
0x56: {  	_ =	shalt  }
0x57: {  	_ =	shalt  }
0x58: {  	_ =	shalt  }
0x59: {  	_ =	shalt  }
0x5a: {  	_ =	shalt  }
0x5b: {  	_ =	shalt  }
0x5c: {  	_ =	shalt  }
0x5d: {  	_ =	shalt  }
0x5e: {  	_ =	shalt  }
0x5f: {  	_ =	shalt  }
0x60: {  	_ =	shalt  }
0x61: {  	_ =	shalt  }
0x62: {  	_ =	shalt  }
0x63: {  	_ =	shalt  }
0x64: {  	_ =	shalt  }
0x65: {  	_ =	shalt  }
0x66: {  	_ =	shalt  }
0x67: {  	_ =	shalt  }
0x68: {  	_ =	shalt  }
0x69: {  	_ =	shalt  }
0x6a: {  	_ =	shalt  }
0x6b: {  	_ =	shalt  }
0x6c: {  	_ =	shalt  }
0x6d: {  	_ =	shalt  }
0x6e: {  	_ =	shalt  }
0x6f: {  	_ =	shalt  }
0x70: {  	_ =	shalt  }
0x71: {  	_ =	shalt  }
0x72: {  	_ =	shalt  }
0x73: {  	_ =	shalt  }
0x74: {  	_ =	shalt  }
0x75: {  	_ =	shalt  }
0x76: {  	_ =	shalt  }
0x77: {  	_ =	shalt  }
0x78: {  	_ =	shalt  }
0x79: {  	_ =	shalt  }
0x7a: {  	_ =	shalt  }
0x7b: {  	_ =	shalt  }
0x7c: {  	_ =	shalt  }
0x7d: {  	_ =	shalt  }
0x7e: {  	_ =	shalt  }
0x7f: {  	_ =	shalt  }
0x80: {  	_ =	shalt  }
0x81: {  	_ =	shalt  }
0x82: {  	_ =	shalt  }
0x83: {  	_ =	shalt  }
0x84: {  	_ =	shalt  }
0x85: {  	_ =	shalt  }
0x86: {  	_ =	shalt  }
0x87: {  	_ =	shalt  }
.Lfunc_end0:
.L_simem_size_0:
called_computation_lowered:
.L_overlay_start_0:
0x88: {  	s2 =	sld [smem:$0x3FD9]  }
0x89: {  	s3 =	sld [smem:$0x3FFE];
	_ =	sdelay $0x1  }
0x8a: {  	s1 =	srdreg.scid  }
0x8b: {  	s0 =	sand.u32 $0x1, s1  }
0x8c: {  	s17 =	sshll.u32 s0, $0xA;
	s2 =	sadd.s32 s3, s2  }
0x8d: {  	s2 =	sadd.s32 s2, s17  }
0x8e: {  	[smem:$0x3FC4] =	sst s2  }
0x8f: {  	_ = 	snop  }
0x90: {  	s2 =	sld [smem:$0x3FD0];
	(tm) =	ssettm $0x1  }
0x91: {  	s18 =	sld [smem:$0x3FFB];
	_ =	sdelay $0x3  }
0x92: {  	_ =	strace s18  }
0x93: {  	s3 =	sld [smem:$0x3FFC];
	_ =	sdelay $0x3  }
0x94: {  	_ =	strace s3  }
0x95: {  	s3 =	sld [smem:$0x3FFD];
	_ =	sdelay $0x3  }
0x96: {  	_ =	strace s3  }
0x97: {  	_ =	strace $0x8FFFFFFF  }
0x98: {  	s19 =	sld [smem:$0x3FDB];
	_ =	sdelay $0x1  }
0x99: {  	s4 =	simm.s32 $_scs_section_size  }
0x9a: {  	s5 =	simm.s32 $_size__tile_overlayer_lowered;
	s6 =	simm.s32 $_tile_overlayer_lowered  }
0x9b: {  	s22 =	simm.s32 $0x1BFF;
	s21 =	sshll.u32 s6, $0x1;
	s3 =	sadd.s32 s4, s19  }
0x9c: {  	s7 =	simm.s32 $0x0;
	s20 =	sshll.u32 s5, $0x1;
	s5 =	sadd.s32 s21, s3  }
0x9d: {  	[timem:s7], [sflag:s22] =	dma.local [hbm:s5], s20  }
0x9e: {  	_ =	swait.ge [sflag:s22], s20  }
0x9f: {  	s4 =	ssub.s32 $0x0, s20;
	[sflag:s22] =	ssyncset.done $0x0  }
0xa0: {  	[sflag:s22] =	ssyncadd.s32 s4;
	_ =	sdelay $0x1  }
0xa1: {  	s23 =	simm.s32 $0x1B8B  }
0xa2: {  	_ =	swait.ge [sflag:s23], $0x1  }
0xa3: {  	[sflag:s23] =	ssyncset.done $0x0  }
0xa4: {  	s25 =	simm.s32 $0x1B8E;
	s24 =	sld [smem:$0x3FFE];
	[sflag:s23] =	ssyncadd.s32 $0xFFFFFFFF  }
0xa5: {  	s26 =	simm.s32 $execute0_lowered;
	[smem:$0x3FD2] =	sst s25  }
0xa6: {  	s5 =	sshll.u32 s26, $0x1;
	_ =	strace $0x80000046;
	[dreg:$0x1] =	wrdreg $0xFFFFFFFF  }
0xa7: {  	s28 =	simm.s32 $_size_execute0_lowered;
	s3 =	sadd.s32 s3, s5;
	[dreg:$0x0] =	wrdreg $0x0  }
0xa8: {  	s5 =	sshll.u32 s28, $0x1;
	[dreg:$0x2] =	wrdreg s3  }
0xa9: {  	[dreg:$0x3] =	wrdreg s5  }
0xaa: {  	[dreg:$0x4] =	wrdreg $0xC0  }
0xab: {  	_ =	task [dreg:s7], $0x5FFFF  }
0xac: {  	[dreg:$0x1] =	wrdreg $0xFFFFFFFF  }
0xad: {  	[dreg:$0x0] =	wrdreg $0x60  }
0xae: {  	[dreg:$0x2] =	wrdreg s24  }
0xaf: {  	[dreg:$0x3] =	wrdreg s2  }
0xb0: {  	[dreg:$0x4] =	wrdreg $0x9  }
0xb1: {  	_ =	task.clear_ibuf [dreg:s7], $0x5FFFF;
	_ =	strace $0x90000046  }
0xb2: {  	s29 =	simm.s32 $0x9;
	_ =	strace $0x80000048  }
0xb3: {  	_ =	swait.ge [sflag:s29], $0x1  }
0xb4: {  	[sflag:s29] =	ssyncadd.s32 $0xFFFFFFFF  }
0xb5: {  	_ =	strace $0x90000048  }
0xb6: {  	_ =	sfence  }
0xb7: {  	s30 =	sld [smem:$0x0];
	_ =	sdelay $0x2  }
0xb8: {  	s31 =	sshll.u32 s1, $0xD;
	s1 =	sshrl.u32 s1, $0x2  }
0xb9: {  	s3 =	sand.u32 $0x4000, s31;
	s1 =	sadd.s32 s1, s30  }
0xba: {  	s0 =	sor.u32 s3, s0;
	s1 =	sshll.u32 s1, $0x11  }
0xbb: {  	s0 =	sor.u32 s1, s0  }
0xbc: {  	s0 =	sadd.s32 $0x8F2B, s0  }
0xbd: {  	[sflag:s0] =	ssyncadd.remote.s32 $0x1  }
0xbe: {  	_ =	sfence.sel $0xFFFF  }
0xbf: {  	[dreg:$0x0] =	wrdreg $0xFFFFFFFF;
	(pc) =	sbr.abs _section_cstart, $3  }
0xc0: {  	[dreg:$0x1] =	wrdreg $0xFFFFFFFF  }
0xc1: {  	_ =	task.clear_ibuf [dreg:s7], $0x2FFFF;
	_ =	strace $0x9FFFFFFF  }
0xc2: {  	(tm) =	ssettm $0x7FFFFFFF  }
0xc3: {  	_ =	shalt  }
tec
execute0_lowered:
.L_overlay_start_1:
0x0: {  	(tag) =	ssettag $0x1  }
0x1: {  	s0 =	rddreg [dreg:$0x0];
	s1 =	srdreg.scid  }
0x2: {  	s8 =	stileid.u32;
	s4 =	rddreg [dreg:$0x1];
	s2 =	simm.s32 $0x0  }
0x3: {  	s13 =	simm.s32 $0x40;
	s14 =	simm.s32 $0x1900;
	s17 =	simm.s32 $0x5900  }
0x4: {  	s21 =	simm.s32 $0x9900;
	s25 =	simm.s32 $0xD900;
	s30 =	simm.s32 $0x11900  }
0x5: {  	s15 =	simm.s32 $0x3;
	s16 =	simm.s32 $0x5;
	s18 =	simm.s32 $0x7  }
0x6: {  	s19 =	simm.s32 $0x9;
	s1 =	sand.u32 $0x1, s1;
	s3 =	sshll.u32 s8, $0x1  }
0x7: {  	s20 =	simm.s32 $0xA;
	s29 =	smul.u32 $0x32000, s8;
	s5 =	sor.u32 s1, s3  }
0x8: {  	s10 =	simm.s32 $0x14;
	[smem:$0x7FF] =	sst s2;
	s6 =	smul.u32 $0x1900, s5  }
0x9: {  	s11 =	simm.s32 $0x0;
	_ =	strace $0x80000047;
	s5 =	smul.u32 $0x19000, s5  }
0xa: {  	s3 =	sadd.s32 $0x6A00, s0;
	s7 =	ssub.s32 $0x2, s1;
	s1 =	smul.u32 $0x19000, s1  }
0xb: {  	s28 =	sshrl.u32 s7, $0x1;
	s6 =	sshrl.u32 s6, $0x3;
	s5 =	sadd.s32 s4, s5  }
0xc: {  	s0 =	sadd.s32 s6, s0;
	s6 =	ssub.s32 s7, s28;
	s7 =	sadd.s32 $0x17400, s5  }
0xd: {  	s8 =	sadd.s32 $0x17C00, s5;
	s9 =	sadd.s32 $0x18400, s5;
	s31 =	sadd.s32 $0x18C00, s5  }
.Ltmp0:
0xe: {  	s0 =	sadd.s32 $0x600, s0;
	[dreg:$0x5] =	wrdreg s31;
	(pc) =	sbr.rel .LBB2_1-.Ltmp0, $4  }
0xf: {  	s6 =	smax.u32 s6, $0x1;
	[dreg:$0x3] =	wrdreg s0;
	s0 =	sadd.s32 s29, s4  }
0x10: {  	[dreg:$0x4] =	wrdreg s6;
	s6 =	sadd.s32 $0x16C00, s5;
	s0 =	sadd.s32 s1, s0  }
0x11: {  	s4 =	simm.s32 $0x12;
	s5 =	simm.s32 $0x13;
	s0 =	sadd.s32 $0x2400, s0  }
0x12: {  	s1 =	simm.s32 $0x13900;
	[dreg:$0x6] =	wrdreg s0;
	s0 =	simm.s32 $0x1  }
.LBB2_4:
0x13: {  	_ =	swait.ge [sflag:s20], $0x2000  }
0x14: {  	[sflag:s20] =	ssyncset.done $0x0  }
0x15: {  	s31 =	simm.s32 $0xB;
	s12 =	rddreg [dreg:$0x5];
	[sflag:s20] =	ssyncadd.s32 $0xFFFFE000  }
0x16: {  	[hbm4b:s12+s2] =	stream.linear.scatter [tilespmem:s1], [sflag:$0x14], $0x2000, $0x38;
	[tilespmem:$0x15900] =	vst v63  }
0x17: {  	_ =	swait.ge [sflag:s31], $0x2000  }
0x18: {  	[sflag:s31] =	ssyncset.done $0x0  }
0x19: {  	s22 =	simm.s32 $0xC;
	[sflag:s31] =	ssyncadd.s32 $0xFFFFE000  }
0x1a: {  	_ =	swait.ge [sflag:s22], $0x2000  }
0x1b: {  	[sflag:s22] =	ssyncset.done $0x0  }
0x1c: {  	s23 =	simm.s32 $0xD;
	[sflag:s22] =	ssyncadd.s32 $0xFFFFE000  }
0x1d: {  	_ =	swait.ge [sflag:s23], $0x2000  }
0x1e: {  	[sflag:s23] =	ssyncset.done $0x0  }
0x1f: {  	s24 =	simm.s32 $0xE;
	[sflag:s23] =	ssyncadd.s32 $0xFFFFE000  }
0x20: {  	_ =	swait.ge [sflag:s24], $0x2000  }
0x21: {  	[sflag:s24] =	ssyncset.done $0x0  }
0x22: {  	s26 =	simm.s32 $0xF;
	[sflag:s24] =	ssyncadd.s32 $0xFFFFE000  }
0x23: {  	_ =	swait.ge [sflag:s26], $0x2000  }
0x24: {  	[sflag:s26] =	ssyncset.done $0x0  }
0x25: {  	s28 =	simm.s32 $0x10;
	[sflag:s26] =	ssyncadd.s32 $0xFFFFE000  }
0x26: {  	_ =	swait.ge [sflag:s28], $0x2000  }
0x27: {  	[sflag:s28] =	ssyncset.done $0x0  }
0x28: {  	s29 =	simm.s32 $0x11;
	[sflag:s28] =	ssyncadd.s32 $0xFFFFE000  }
0x29: {  	_ =	swait.ge [sflag:s29], $0x2000  }
0x2a: {  	[sflag:s29] =	ssyncset.done $0x0  }
0x2b: {  	[sflag:s29] =	ssyncadd.s32 $0xFFFFE000  }
0x2c: {  	_ =	swait.ge [sflag:s4], $0x2000  }
0x2d: {  	[sflag:s4] =	ssyncset.done $0x0  }
0x2e: {  	[sflag:s4] =	ssyncadd.s32 $0xFFFFE000  }
0x2f: {  	_ =	swait.ge [sflag:s5], $0x2000  }
0x30: {  	[sflag:s5] =	ssyncset.done $0x0  }
0x31: {  	[sflag:s5] =	ssyncadd.s32 $0xFFFFE000  }
0x32: {  	_ =	swait.ge [sflag:s10], $0x2000  }
0x33: {  	s11 =	sadd.s32 $0x1, s11;
	s31 =	rddreg [dreg:$0x4]  }
0x34: {  	p0 =	sne.s32 s11, s31  }
.Ltmp1:
0x35: {  	_ = 	snop;
	(pc) =	sbr.rel @!p0 .LBB2_5-.Ltmp1, $3  }
0x36: {  	_ =	sdelay $0x1  }
0x37: {  	[sflag:s10] =	ssyncset.done $0x0  }
0x38: {  	[sflag:s10] =	ssyncadd.s32 $0xFFFFE000  }
.LBB2_1:
0x39: {  	s12 =	rddreg [dreg:$0x3];
	s24 =	simm.s32 $0x15  }
0x3a: {  	[tilespmem:s2], [sflag:$0x15] =	stream.linear.gather [hbm4b:s12+s2], $0x1900, $0x38;
	[tilespmem:$0x15900] =	vst v63  }
0x3b: {  	_ =	swait.ge [sflag:s24], $0x1900  }
0x3c: {  	[sflag:s24] =	ssyncset.done $0x0  }
0x3d: {  	[sflag:s24] =	ssyncadd.s32 $0xFFFFE700  }
0x3e: {  	[tilespmem:s14], [sflag:$0x1] =	stream.indirect.gather [hbm4b:s3+s13], $0x80, s2, s13, $0xb8;
	[tilespmem:$0x15900] =	vst v63  }
0x3f: {  	s26 =	simm.s32 $0x3900  }
0x40: {  	[tilespmem:s26], [sflag:$0x2] =	stream.indirect.gather [hbm4b:s3+s13], $0x80, s13, s13, $0xb8;
	[tilespmem:$0x15900] =	vst v63  }
0x41: {  	s28 =	simm.s32 $0x80  }
0x42: {  	[tilespmem:s17], [sflag:$0x3] =	stream.indirect.gather [hbm4b:s3+s13], $0x80, s28, s13, $0xb8;
	[tilespmem:$0x15900] =	vst v63  }
0x43: {  	s29 =	simm.s32 $0xC0;
	s22 =	simm.s32 $0x7900  }
0x44: {  	[tilespmem:s22], [sflag:$0x4] =	stream.indirect.gather [hbm4b:s3+s13], $0x80, s29, s13, $0xb8;
	[tilespmem:$0x15900] =	vst v63  }
0x45: {  	s31 =	simm.s32 $0x100  }
0x46: {  	[tilespmem:s21], [sflag:$0x5] =	stream.indirect.gather [hbm4b:s3+s13], $0x80, s31, s13, $0xb8;
	[tilespmem:$0x15900] =	vst v63  }
0x47: {  	s23 =	simm.s32 $0xB900;
	s22 =	simm.s32 $0x140  }
0x48: {  	[tilespmem:s23], [sflag:$0x6] =	stream.indirect.gather [hbm4b:s3+s13], $0x80, s22, s13, $0xb8;
	[tilespmem:$0x15900] =	vst v63  }
0x49: {  	s24 =	simm.s32 $0x180  }
0x4a: {  	[tilespmem:s25], [sflag:$0x7] =	stream.indirect.gather [hbm4b:s3+s13], $0x80, s24, s13, $0xb8;
	[tilespmem:$0x15900] =	vst v63  }
0x4b: {  	s26 =	simm.s32 $0x1C0;
	s28 =	simm.s32 $0xF900  }
0x4c: {  	[tilespmem:s28], [sflag:$0x8] =	stream.indirect.gather [hbm4b:s3+s13], $0x80, s26, s13, $0xb8;
	[tilespmem:$0x15900] =	vst v63  }
0x4d: {  	s29 =	simm.s32 $0x200  }
0x4e: {  	[tilespmem:s30], [sflag:$0x9] =	stream.indirect.gather [hbm4b:s3+s13], $0x80, s29, s13, $0xb8;
	[tilespmem:$0x15900] =	vst v63  }
0x4f: {  	s12 =	rddreg [dreg:$0x6];
	s31 =	simm.s32 $0x240;
	s22 =	simm.s32 $0x0  }
0x50: {  	[tilespmem:s1], [sflag:$0xA] =	stream.indirect.gather [hbm4b:s3+s13], $0x80, s31, s13, $0xb8;
	[tilespmem:$0x15900] =	vst v63  }
.LBB2_2:
0x51: {  	_ =	swait.ge [sflag:s0], $0x2000  }
0x52: {  	[sflag:s0] =	ssyncset.done $0x0  }
0x53: {  	s23 =	sadd.s32 $0xFFFFDC00, s12;
	p0 =	seq.s32 s22, $0x5A00;
	[sflag:s0] =	ssyncadd.s32 $0xFFFFE000  }
0x54: {  	[hbm4b:s23+s2] =	stream.linear.scatter [tilespmem:s14], [sflag:$0xB], $0x2000, $0x38;
	[tilespmem:$0x15900] =	vst v63  }
0x55: {  	s23 =	simm.s32 @p0 $0x2  }
0x56: {  	_ =	swait.ge @p0 [sflag:s23], $0x2000  }
0x57: {  	[sflag:s23] =	ssyncset.done @p0 $0x0  }
0x58: {  	s26 =	simm.s32 @p0 $0x0;
	[sflag:s23] =	ssyncadd.s32 @p0 $0xFFFFE000;
	s23 =	simm.s32 @p0 $0x3900  }
0x59: {  	[hbm4b:s6+s26] =	stream.linear.scatter @p0 [tilespmem:s23], [sflag:$0xC], $0x2000, $0x38;
	[tilespmem:$0x15900] =	vst v63  }
0x5a: {  	s23 =	simm.s32 @!p0 $0xB  }
0x5b: {  	_ =	swait.ge @!p0 [sflag:s23], $0x2000  }
0x5c: {  	[sflag:s23] =	ssyncset.done @!p0 $0x0  }
0x5d: {  	[sflag:s23] =	ssyncadd.s32 @!p0 $0xFFFFE000;
	s23 =	sshra.s32 @!p0 s22, $0x2  }
0x5e: {  	s24 =	simm.s32 @!p0 $0x40;
	s29 =	simm.s32 @!p0 $0x1900;
	s28 =	sadd.s32 @!p0 $0x280, s23  }
0x5f: {  	[tilespmem:s29], [sflag:$0x1] =	stream.indirect.gather @!p0 [hbm4b:s3+s24], $0x80, s28, s24, $0xb8;
	[tilespmem:$0x15900] =	vst v63  }
0x60: {  	s28 =	simm.s32 @!p0 $0x2  }
0x61: {  	_ =	swait.ge @!p0 [sflag:s28], $0x2000  }
0x62: {  	s31 =	simm.s32 @!p0 $0x3900;
	[sflag:s28] =	ssyncset.done @!p0 $0x0  }
0x63: {  	s29 =	sadd.s32 @!p0 $0xFFFFE000, s12;
	[sflag:s28] =	ssyncadd.s32 @!p0 $0xFFFFE000;
	s28 =	simm.s32 @!p0 $0x0  }
0x64: {  	[hbm4b:s29+s28] =	stream.linear.scatter @!p0 [tilespmem:s31], [sflag:$0xC], $0x2000, $0x38;
	[tilespmem:$0x15900] =	vst v63  }
0x65: {  	s29 =	simm.s32 @!p0 $0xC  }
0x66: {  	_ =	swait.ge @!p0 [sflag:s29], $0x2000  }
0x67: {  	[sflag:s29] =	ssyncset.done @!p0 $0x0  }
0x68: {  	[sflag:s29] =	ssyncadd.s32 @!p0 $0xFFFFE000;
	s29 =	sadd.s32 @!p0 $0x2C0, s23  }
0x69: {  	[tilespmem:s31], [sflag:$0x2] =	stream.indirect.gather @!p0 [hbm4b:s3+s24], $0x80, s29, s24, $0xb8;
	[tilespmem:$0x15900] =	vst v63  }
0x6a: {  	_ =	swait.ge [sflag:s15], $0x2000  }
0x6b: {  	[sflag:s15] =	ssyncset.done $0x0  }
0x6c: {  	s31 =	sadd.s32 $0xFFFFE400, s12;
	s29 =	simm.s32 @p0 $0x4;
	[sflag:s15] =	ssyncadd.s32 $0xFFFFE000  }
0x6d: {  	[hbm4b:s31+s2] =	stream.linear.scatter [tilespmem:s17], [sflag:$0xD], $0x2000, $0x38;
	[tilespmem:$0x15900] =	vst v63  }
0x6e: {  	_ =	swait.ge @p0 [sflag:s29], $0x2000  }
0x6f: {  	[sflag:s29] =	ssyncset.done @p0 $0x0  }
0x70: {  	[sflag:s29] =	ssyncadd.s32 @p0 $0xFFFFE000;
	s29 =	simm.s32 @p0 $0x7900  }
0x71: {  	[hbm4b:s7+s26] =	stream.linear.scatter @p0 [tilespmem:s29], [sflag:$0xE], $0x2000, $0x38;
	[tilespmem:$0x15900] =	vst v63  }
0x72: {  	s29 =	simm.s32 @!p0 $0xD  }
0x73: {  	_ =	swait.ge @!p0 [sflag:s29], $0x2000  }
0x74: {  	[sflag:s29] =	ssyncset.done @!p0 $0x0  }
0x75: {  	s31 =	simm.s32 @!p0 $0x5900;
	[sflag:s29] =	ssyncadd.s32 @!p0 $0xFFFFE000;
	s29 =	sadd.s32 @!p0 $0x300, s23  }
0x76: {  	[tilespmem:s31], [sflag:$0x3] =	stream.indirect.gather @!p0 [hbm4b:s3+s24], $0x80, s29, s24, $0xb8;
	[tilespmem:$0x15900] =	vst v63  }
0x77: {  	s29 =	simm.s32 @!p0 $0x4  }
0x78: {  	_ =	swait.ge @!p0 [sflag:s29], $0x2000  }
0x79: {  	[sflag:s29] =	ssyncset.done @!p0 $0x0  }
0x7a: {  	s31 =	simm.s32 @!p0 $0x7900;
	[sflag:s29] =	ssyncadd.s32 @!p0 $0xFFFFE000;
	s29 =	sadd.s32 @!p0 $0xFFFFE800, s12  }
0x7b: {  	[hbm4b:s29+s28] =	stream.linear.scatter @!p0 [tilespmem:s31], [sflag:$0xE], $0x2000, $0x38;
	[tilespmem:$0x15900] =	vst v63  }
0x7c: {  	s29 =	simm.s32 @!p0 $0xE  }
0x7d: {  	_ =	swait.ge @!p0 [sflag:s29], $0x2000  }
0x7e: {  	[sflag:s29] =	ssyncset.done @!p0 $0x0  }
0x7f: {  	[sflag:s29] =	ssyncadd.s32 @!p0 $0xFFFFE000;
	s29 =	sadd.s32 @!p0 $0x340, s23  }
0x80: {  	[tilespmem:s31], [sflag:$0x4] =	stream.indirect.gather @!p0 [hbm4b:s3+s24], $0x80, s29, s24, $0xb8;
	[tilespmem:$0x15900] =	vst v63  }
0x81: {  	_ =	swait.ge [sflag:s16], $0x2000  }
0x82: {  	[sflag:s16] =	ssyncset.done $0x0  }
0x83: {  	s31 =	sadd.s32 $0xFFFFEC00, s12;
	s29 =	simm.s32 @p0 $0x6;
	[sflag:s16] =	ssyncadd.s32 $0xFFFFE000  }
0x84: {  	[hbm4b:s31+s2] =	stream.linear.scatter [tilespmem:s21], [sflag:$0xF], $0x2000, $0x38;
	[tilespmem:$0x15900] =	vst v63  }
0x85: {  	_ =	swait.ge @p0 [sflag:s29], $0x2000  }
0x86: {  	[sflag:s29] =	ssyncset.done @p0 $0x0  }
0x87: {  	[sflag:s29] =	ssyncadd.s32 @p0 $0xFFFFE000;
	s29 =	simm.s32 @p0 $0xB900  }
0x88: {  	[hbm4b:s8+s26] =	stream.linear.scatter @p0 [tilespmem:s29], [sflag:$0x10], $0x2000, $0x38;
	[tilespmem:$0x15900] =	vst v63  }
0x89: {  	s29 =	simm.s32 @!p0 $0xF  }
0x8a: {  	_ =	swait.ge @!p0 [sflag:s29], $0x2000  }
0x8b: {  	[sflag:s29] =	ssyncset.done @!p0 $0x0  }
0x8c: {  	s31 =	simm.s32 @!p0 $0x9900;
	[sflag:s29] =	ssyncadd.s32 @!p0 $0xFFFFE000;
	s29 =	sadd.s32 @!p0 $0x380, s23  }
0x8d: {  	[tilespmem:s31], [sflag:$0x5] =	stream.indirect.gather @!p0 [hbm4b:s3+s24], $0x80, s29, s24, $0xb8;
	[tilespmem:$0x15900] =	vst v63  }
0x8e: {  	s29 =	simm.s32 @!p0 $0x6  }
0x8f: {  	_ =	swait.ge @!p0 [sflag:s29], $0x2000  }
0x90: {  	[sflag:s29] =	ssyncset.done @!p0 $0x0  }
0x91: {  	s31 =	simm.s32 @!p0 $0xB900;
	[sflag:s29] =	ssyncadd.s32 @!p0 $0xFFFFE000;
	s29 =	sadd.s32 @!p0 $0xFFFFF000, s12  }
0x92: {  	[hbm4b:s29+s28] =	stream.linear.scatter @!p0 [tilespmem:s31], [sflag:$0x10], $0x2000, $0x38;
	[tilespmem:$0x15900] =	vst v63  }
0x93: {  	s29 =	simm.s32 @!p0 $0x10  }
0x94: {  	_ =	swait.ge @!p0 [sflag:s29], $0x2000  }
0x95: {  	[sflag:s29] =	ssyncset.done @!p0 $0x0  }
0x96: {  	[sflag:s29] =	ssyncadd.s32 @!p0 $0xFFFFE000;
	s29 =	sadd.s32 @!p0 $0x3C0, s23  }
0x97: {  	[tilespmem:s31], [sflag:$0x6] =	stream.indirect.gather @!p0 [hbm4b:s3+s24], $0x80, s29, s24, $0xb8;
	[tilespmem:$0x15900] =	vst v63  }
0x98: {  	_ =	swait.ge [sflag:s18], $0x2000  }
0x99: {  	[sflag:s18] =	ssyncset.done $0x0  }
0x9a: {  	s31 =	sadd.s32 $0xFFFFF400, s12;
	s29 =	simm.s32 @p0 $0x8;
	[sflag:s18] =	ssyncadd.s32 $0xFFFFE000  }
0x9b: {  	[hbm4b:s31+s2] =	stream.linear.scatter [tilespmem:s25], [sflag:$0x11], $0x2000, $0x38;
	[tilespmem:$0x15900] =	vst v63  }
0x9c: {  	_ =	swait.ge @p0 [sflag:s29], $0x2000  }
0x9d: {  	[sflag:s29] =	ssyncset.done @p0 $0x0  }
0x9e: {  	[sflag:s29] =	ssyncadd.s32 @p0 $0xFFFFE000;
	s29 =	simm.s32 @p0 $0xF900  }
0x9f: {  	[hbm4b:s9+s26] =	stream.linear.scatter @p0 [tilespmem:s29], [sflag:$0x12], $0x2000, $0x38;
	[tilespmem:$0x15900] =	vst v63  }
0xa0: {  	s26 =	simm.s32 @!p0 $0x11  }
0xa1: {  	_ =	swait.ge @!p0 [sflag:s26], $0x2000  }
0xa2: {  	[sflag:s26] =	ssyncset.done @!p0 $0x0  }
0xa3: {  	s29 =	simm.s32 @!p0 $0xD900;
	[sflag:s26] =	ssyncadd.s32 @!p0 $0xFFFFE000;
	s26 =	sadd.s32 @!p0 $0x400, s23  }
0xa4: {  	[tilespmem:s29], [sflag:$0x7] =	stream.indirect.gather @!p0 [hbm4b:s3+s24], $0x80, s26, s24, $0xb8;
	[tilespmem:$0x15900] =	vst v63  }
0xa5: {  	s26 =	simm.s32 @!p0 $0x8  }
0xa6: {  	_ =	swait.ge @!p0 [sflag:s26], $0x2000  }
0xa7: {  	[sflag:s26] =	ssyncset.done @!p0 $0x0  }
0xa8: {  	s29 =	simm.s32 @!p0 $0xF900;
	[sflag:s26] =	ssyncadd.s32 @!p0 $0xFFFFE000;
	s26 =	sadd.s32 @!p0 $0xFFFFF800, s12  }
0xa9: {  	[hbm4b:s26+s28] =	stream.linear.scatter @!p0 [tilespmem:s29], [sflag:$0x12], $0x2000, $0x38;
	[tilespmem:$0x15900] =	vst v63  }
0xaa: {  	s26 =	simm.s32 @!p0 $0x12  }
0xab: {  	_ =	swait.ge @!p0 [sflag:s26], $0x2000  }
0xac: {  	[sflag:s26] =	ssyncset.done @!p0 $0x0  }
0xad: {  	s23 =	sadd.s32 @!p0 $0x440, s23;
	[sflag:s26] =	ssyncadd.s32 @!p0 $0xFFFFE000  }
0xae: {  	[tilespmem:s29], [sflag:$0x8] =	stream.indirect.gather @!p0 [hbm4b:s3+s24], $0x80, s23, s24, $0xb8;
	[tilespmem:$0x15900] =	vst v63  }
.Ltmp2:
0xaf: {  	_ = 	snop;
	(pc) =	sbr.rel @p0 .LBB2_4-.Ltmp2, $4  }
0xb0: {  	_ =	swait.ge [sflag:s19], $0x2000  }
0xb1: {  	[sflag:s19] =	ssyncset.done $0x0  }
0xb2: {  	s31 =	sadd.s32 $0xFFFFFC00, s12;
	[sflag:s19] =	ssyncadd.s32 $0xFFFFE000  }
0xb3: {  	[hbm4b:s31+s2] =	stream.linear.scatter [tilespmem:s30], [sflag:$0x13], $0x2000, $0x38;
	[tilespmem:$0x15900] =	vst v63  }
0xb4: {  	_ =	swait.ge [sflag:s5], $0x2000  }
0xb5: {  	s23 =	sshra.s32 s22, $0x2;
	[sflag:s5] =	ssyncset.done $0x0  }
0xb6: {  	s24 =	sadd.s32 $0x480, s23;
	[sflag:s5] =	ssyncadd.s32 $0xFFFFE000  }
0xb7: {  	[tilespmem:s30], [sflag:$0x9] =	stream.indirect.gather [hbm4b:s3+s13], $0x80, s24, s13, $0xb8;
	[tilespmem:$0x15900] =	vst v63  }
0xb8: {  	_ =	swait.ge [sflag:s20], $0x2000  }
0xb9: {  	[sflag:s20] =	ssyncset.done $0x0  }
0xba: {  	[sflag:s20] =	ssyncadd.s32 $0xFFFFE000  }
0xbb: {  	[hbm4b:s12+s2] =	stream.linear.scatter [tilespmem:s1], [sflag:$0x14], $0x2000, $0x38;
	[tilespmem:$0x15900] =	vst v63  }
.Ltmp3:
0xbc: {  	_ = 	snop;
	(pc) =	sbr.rel .LBB2_2-.Ltmp3, $4  }
0xbd: {  	_ =	swait.ge [sflag:s10], $0x2000  }
0xbe: {  	s22 =	sadd.s32 $0xA00, s22;
	[sflag:s10] =	ssyncset.done $0x0  }
0xbf: {  	s23 =	sadd.s32 $0x4C0, s23;
	s12 =	sadd.s32 $0x2800, s12;
	[sflag:s10] =	ssyncadd.s32 $0xFFFFE000  }
0xc0: {  	[tilespmem:s1], [sflag:$0xA] =	stream.indirect.gather [hbm4b:s3+s13], $0x80, s23, s13, $0xb8;
	[tilespmem:$0x15900] =	vst v63  }
.LBB2_5:
0xc1: {  	_ =	sfence.sel $0x180000  }
0xc2: {  	[bflag:$0x0] =	sbarrier.arrive $0xFFFF  }
0xc3: {  	_ =	strace $0x90000047  }
0xc4: {  	s0 =	stileid.u32;
	[bflag:$0x2] =	sbarrier.arrive $0xFFFF  }
0xc5: {  	p0 =	sne.s32 s0, $0x0;
	s0 =	rddreg [dreg:$0x2]  }
0xc6: {  	s0 =	sadd.s32 @!p0 $0x100000, s0  }
0xc7: {  	[sflag:s0] =	ssyncadd.tile.s32 @!p0 $0x1;
	_ =	shalt  }
.Lfunc_end2:
_tile_overlayer_lowered:
.L_overlay_start_2:
0xc8: {  	(tag) =	ssettag $0x2  }
0xc9: {  	s0 =	rddreg [dreg:$0x0];
	s2 =	stileid.u32  }
0xca: {  	s1 =	rddreg [dreg:$0x1];
	p0 =	sne.s32 s2, $0x0  }
0xcb: {  	s3 =	rddreg [dreg:$0x2];
	[bflag:$0x3] =	sbarrier.arrive $0xFFFF;
	s2 =	simm.s32 @!p0 $0x1C15  }
0xcc: {  	[timem:s3], [sflag:s2] =	dma.local @!p0 [hbm:s0], s1  }
0xcd: {  	s0 =	simm.s32 @!p0 $0x15  }
0xce: {  	_ =	swait.ge @!p0 [sflag:s0], s1  }
0xcf: {  	s1 =	ssub.s32 @!p0 $0x0, s1;
	[sflag:s0] =	ssyncset.done @!p0 $0x0  }
0xd0: {  	[sflag:s0] =	ssyncadd.s32 @!p0 s1  }
0xd1: {  	[bflag:$0x3] =	sbarrier.arrive $0xFFFF  }
0xd2: {  	_ =	shalt  }

</sc_bundles>
